<compile_context>
chip_gen: v7x
topology: tpu7x:2x2x1
jax: 0.10.2.dev20260603
libtpu: 0.0.44.dev20260713+nightly
codegen_flags: <defaults>
</compile_context>

<pallas_src>
import functools
import math

import jax
import jax.numpy as jnp
from jax import lax
from jax.experimental import pallas as pl
from jax.experimental.pallas import tpu as pltpu
from jax.experimental.pallas import tpu_sc as plsc

_INV_SQRT8 = 1.0 / math.sqrt(8.0)
_ROWS = 1048576
_B = _ROWS // 128
_RB = 512
_G = _B // _RB
_PRIMES = (3, 5, 7, 11, 13, 17, 19, 23)
_NBINS = 4096


def _rot(x, sh):
    return jnp.concatenate([x[:, sh:], x[:, :sh]], axis=1)


def _butterfly(x):
    ii = lax.broadcasted_iota(jnp.int32, (1, 8, 1), 1)
    s4 = (1 - 2 * ((ii >> 2) & 1)).astype(x.dtype)
    s2 = (1 - 2 * ((ii >> 1) & 1)).astype(x.dtype)
    s1 = (1 - 2 * (ii & 1)).astype(x.dtype)
    x = _rot(x, 4) + s4 * x
    x = jnp.where(((ii >> 1) & 1) == 0, _rot(x, 2), _rot(x, 6)) + s2 * x
    x = jnp.where((ii & 1) == 0, _rot(x, 1), _rot(x, 7)) + s1 * x
    return x


def _parity(v):
    return (v.astype(jnp.int32) & 1).astype(v.dtype)


def _tc_body(xt_ref, quant_ref, q2_ref, h_ref, psum_ref):
    x = xt_ref[...]
    xh = _butterfly(x) * _INV_SQRT8

    n = jnp.round(xh)
    f = xh - n
    af = jnp.abs(f)
    negf = jnp.where(f < 0.0, 1.0, 0.0)
    s = 1.0 - 2.0 * negf
    sum_v = jnp.sum(n + 2048.0 * negf, axis=1, keepdims=True)
    sum_f2 = jnp.sum(f * f, axis=1, keepdims=True)
    sum_af = jnp.sum(af, axis=1, keepdims=True)
    m_max = jnp.max(af, axis=1, keepdims=True)
    m_min = jnp.min(af, axis=1, keepdims=True)
    negc = jnp.round(sum_v * (1.0 / 2048.0))
    sum_n = sum_v - 2048.0 * negc

    pa = _parity(sum_n)
    pb = _parity(sum_n - negc)
    da = sum_f2 + pa * (1.0 - 2.0 * m_max)
    db = sum_f2 - sum_af + 2.0 + pb * (2.0 * m_min)
    use_a = da <= db

    t_val = jnp.where(use_a, m_max, m_min)
    p_fix = jnp.where(use_a, pa, -pb)
    e_half = jnp.where(use_a, 0.0, 0.5)
    q = n + s * (e_half + jnp.where(af == t_val, p_fix, 0.0))

    quant_ref[...] = _butterfly(q) * _INV_SQRT8
    c2 = 2.0 * q
    q2_ref[...] = c2.astype(jnp.int16)

    i8 = lax.broadcasted_iota(jnp.int32, (1, 8, 1), 1)
    w = (2 * i8 + 3 + 2 * ((i8 >= 3).astype(jnp.int32)
                           + (i8 >= 5).astype(jnp.int32)
                           + (i8 >= 7).astype(jnp.int32))).astype(xh.dtype)
    hh = jnp.sum(c2 * w, axis=1, keepdims=True)
    h_ref[...] = hh.astype(jnp.int32) & (_NBINS - 1)

    d_chosen = jnp.minimum(da, db)
    psum_ref[...] = jnp.sum(d_chosen, axis=0, keepdims=True)


def _tc_call(xt, interpret=False):
    return pl.pallas_call(
        _tc_body,
        grid=(_G,),
        in_specs=[pl.BlockSpec((_RB, 8, 128), lambda i: (i, 0, 0))],
        out_specs=[
            pl.BlockSpec((_RB, 8, 128), lambda i: (i, 0, 0)),
            pl.BlockSpec((_RB, 8, 128), lambda i: (i, 0, 0)),
            pl.BlockSpec((_RB, 1, 128), lambda i: (i, 0, 0)),
            pl.BlockSpec((1, 1, 128), lambda i: (i, 0, 0)),
        ],
        out_shape=[
            jax.ShapeDtypeStruct((_B, 8, 128), jnp.float32),
            jax.ShapeDtypeStruct((_B, 8, 128), jnp.int16),
            jax.ShapeDtypeStruct((_B, 1, 128), jnp.int32),
            jax.ShapeDtypeStruct((_G, 1, 128), jnp.float32),
        ],
        interpret=interpret,
    )(xt)


_NW = 32
_PER_W = _ROWS // _NW


def _make_hist():
    mesh = plsc.VectorSubcoreMesh(core_axis_name="c", subcore_axis_name="s")

    @functools.partial(
        pl.kernel, mesh=mesh,
        out_type=jax.ShapeDtypeStruct((_NW, _NBINS), jnp.float32),
        compiler_params=pltpu.CompilerParams(needs_layout_passes=False),
        scratch_types=[
            pltpu.VMEM((_PER_W,), jnp.int32),
            pltpu.VMEM((16 * _NBINS,), jnp.float32),
            pltpu.VMEM((_NBINS,), jnp.float32),
        ],
    )
    def hist(h_hbm, out_hbm, idx_v, bins_v, obuf_v):
        wid = lax.axis_index("s") * 2 + lax.axis_index("c")
        zeros16 = jnp.zeros((16,), jnp.float32)
        ones16 = jnp.ones((16,), jnp.float32)
        lane_off = lax.iota(jnp.int32, 16) * _NBINS

        @plsc.parallel_loop(0, 16 * _NBINS // 16, unroll=8)
        def zero_body(i):
            bins_v[pl.ds(i * 16, 16)] = zeros16

        pltpu.sync_copy(h_hbm.at[pl.ds(wid * _PER_W, _PER_W)], idx_v)

        @plsc.parallel_loop(0, _PER_W // 16, unroll=8)
        def scat_body(i):
            v = idx_v[pl.ds(i * 16, 16)]
            plsc.addupdate_scatter(bins_v, [lane_off + v], ones16)

        @plsc.parallel_loop(0, _NBINS // 16, unroll=2)
        def red_body(i):
            acc = bins_v[pl.ds(i * 16, 16)]
            for r in range(1, 16):
                acc = acc + bins_v[pl.ds(r * _NBINS + i * 16, 16)]
            obuf_v[pl.ds(i * 16, 16)] = acc

        pltpu.sync_copy(obuf_v, out_hbm.at[wid])

    return hist


def kernel(x, num_levels):
    del num_levels
    n_rows = x.shape[0]
    xt = x.reshape(_B, 128, 8).swapaxes(1, 2)
    quant_t, q2_t, h3, psum = _tc_call(xt)

    quantized = quant_t.swapaxes(1, 2).reshape(n_rows, 8)
    codes0 = q2_t.swapaxes(1, 2).reshape(n_rows, 1, 8)
    indices = jnp.concatenate(
        [codes0, jnp.zeros((n_rows, 7, 8), codes0.dtype)], axis=1
    ).astype(jnp.int64)

    loss = 1.25 * jnp.sum(psum) / (n_rows * 8)

    partials = _make_hist()(h3.reshape(n_rows))
    counts = jnp.sum(partials, axis=0)
    probs = counts / jnp.sum(counts)
    entropy = -jnp.sum(jnp.where(probs > 0, probs * jnp.log(probs + 1e-10), 0.0))
    perplexity = jnp.exp(entropy)
    return quantized, loss, indices, perplexity

# --- scband reference (transcript-rebuilt; emitter-appended) ---
"""Pipeline reference for scband-hadamard-e8-quantizer-43224550867039 (READ-ONLY COPY).

The authoritative reference and input builder live on the scoring server;
editing this copy changes nothing except your own understanding.
"""

import math
import jax, jax.numpy as jnp
import numpy as np


def _fht(x):
    n = x.shape[-1]
    h = 1
    while h < n:
        x = x.reshape(*x.shape[:-1], n // (2 * h), 2, h)
        a = x[..., 0, :]
        b = x[..., 1, :]
        x = jnp.stack([a + b, a - b], axis=-2)
        x = x.reshape(*x.shape[:-3], n)
        h *= 2
    return x


def hadamard(x):
    # n=8 is a power of 2, orthonormal normalization
    return _fht(x) / math.sqrt(x.shape[-1])


def _d8_round(x):
    # nearest point in D8 (integer vectors with even coordinate sum)
    y = jnp.round(x)
    diff = x - y
    parity = jnp.mod(jnp.abs(jnp.sum(y, axis=-1)).astype(jnp.int32), 2)
    idx = jnp.argmax(jnp.abs(diff), axis=-1)
    oh = jax.nn.one_hot(idx, x.shape[-1], dtype=x.dtype)
    s = jnp.take_along_axis(diff, idx[..., None], axis=-1)
    s = jnp.where(s >= 0, 1.0, -1.0)
    y_fix = y + oh * s
    return jnp.where((parity != 0)[..., None], y_fix, y)


def _e8_quantize(x):
    # E8 = D8 union (D8 + 1/2)
    a = _d8_round(x)
    b = _d8_round(x - 0.5) + 0.5
    da = jnp.sum((x - a) ** 2, axis=-1, keepdims=True)
    db = jnp.sum((x - b) ** 2, axis=-1, keepdims=True)
    return jnp.where(da <= db, a, b)


def _residual_e8(x_h, num_levels, static_levels):
    level_mask = (jnp.arange(static_levels) < num_levels)
    residual = x_h
    q_sum = jnp.zeros_like(x_h)
    codes = []
    for i in range(static_levels):
        q = _e8_quantize(residual) * level_mask[i].astype(x_h.dtype)
        codes.append((2.0 * q).astype(jnp.int64))  # doubled coords -> integer codes
        q_sum = q_sum + q
        residual = residual - q
    indices = jnp.stack(codes, axis=-2)  # [..., L, 8]
    return q_sum, indices


def setup_inputs(seed: int = 0) -> dict:
    key = jax.random.key(seed)
    x = jax.random.normal(key, (1048576, 8), dtype=jnp.float32)
    return {"x": x, "num_levels": 8}


def reference(x, num_levels):
    static_levels = 8
    x_h = hadamard(x)  # forward Hadamard (self-inverse, orthonormal)
    q_sum, indices = _residual_e8(x_h, num_levels, static_levels)
    # commitment + codebook loss (VQ-style)
    loss = jnp.mean((x_h - jax.lax.stop_gradient(q_sum)) ** 2) \
        + 0.25 * jnp.mean((jax.lax.stop_gradient(x_h) - q_sum) ** 2)
    # straight-through estimator
    quant_st = x_h + jax.lax.stop_gradient(q_sum - x_h)
    quantized = hadamard(quant_st)  # inverse Hadamard == forward (H^T = H)
    # perplexity via hashed code histogram of level-0 codes
    primes = jnp.array([3, 5, 7, 11, 13, 17, 19, 23], dtype=jnp.int64)
    h = jnp.mod(jnp.sum(indices[..., 0, :] * primes, axis=-1), 4096)
    h = h.astype(jnp.int32).reshape(-1)
    counts = jnp.bincount(h, length=4096).astype(jnp.float32)
    probs = counts / jnp.sum(counts)
    entropy = -jnp.sum(jnp.where(probs > 0, probs * jnp.log(probs + 1e-10), 0.0))
    perplexity = jnp.exp(entropy)
    return quantized, loss, indices, perplexity

if __name__ == "__main__":
    import jax
    _d = setup_inputs()
    print(jax.jit(kernel)(*tuple(_d.values())))

</pallas_src>

<mosaic_0001>
#map = affine_map<(d0, d1) -> (0)>
#map1 = affine_map<(d0, d1) -> (0, 0)>
module attributes {stable_mosaic.version = 14 : i64} {
  func.func @hist(%arg0: i32, %arg1: i32, %arg2: memref<1048576xi32, #tpu.memory_space<hbm>>, %arg3: memref<32x4096xf32, #tpu.memory_space<hbm>>, %arg4: memref<32768xi32, #tpu.memory_space<vmem>>, %arg5: memref<65536xf32, #tpu.memory_space<vmem>>, %arg6: memref<4096xf32, #tpu.memory_space<vmem>>) attributes {dimension_semantics = [#tpu.dimension_semantics<core_parallel>, #tpu.dimension_semantics<subcore_parallel>], iteration_bounds = array<i64: 2, 16>, scalar_prefetch = 0 : i64, scratch_operands = 3 : i64, tpu.core_type = #tpu.core_type<sc_vector_subcore>, window_params = [{transform_indices = #map}, {transform_indices = #map1}]} {
    %mul3A = arith.constant 2 : i32
    %mul3A_0 = arith.muli %arg1, %mul3A : i32
    %add3A = arith.addi %mul3A_0, %arg0 : i32
    %broadcast_in_dim3A = arith.constant 0.000000e+00 : f32
    %broadcast_in_dim3A_1 = vector.broadcast %broadcast_in_dim3A : f32 to vector<16xf32>
    %broadcast_in_dim3A_2 = arith.constant 1.000000e+00 : f32
    %broadcast_in_dim3A_3 = vector.broadcast %broadcast_in_dim3A_2 : f32 to vector<16xf32>
    %iota3A = tpu.iota {dimensions = array<i32: 0>} : vector<16xi32>
    %mul3A_4 = arith.constant 4096 : i32
    %mul3A_5 = vector.broadcast %mul3A_4 : i32 to vector<16xi32>
    %mul3A_6 = arith.muli %iota3A, %mul3A_5 : vector<16xi32>
    %parallel_loop3A = arith.constant 0 : i32
    %parallel_loop3A_7 = arith.constant 4096 : i32
    %parallel_loop3A_8 = arith.constant 1 : i32
    scf.for %parallel_loop3A_17 = %parallel_loop3A to %parallel_loop3A_7 step %parallel_loop3A_8  : i32 {
      %parallel_loop3A_18 = arith.constant 16 : i32
      %parallel_loop3A_19 = arith.muli %parallel_loop3A_17, %parallel_loop3A_18 : i32
      %parallel_loop3A_20 = arith.index_cast %parallel_loop3A_19 : i32 to index
      %parallel_loop3A_21 = tpu.vector_load %arg5[%parallel_loop3A_20] {strides = array<i32>} : memref<65536xf32, #tpu.memory_space<vmem>>, vector<16xf32>,
      tpu.vector_store %arg5[%parallel_loop3A_20], %broadcast_in_dim3A_1 {strides = array<i32>} : memref<65536xf32, #tpu.memory_space<vmem>>, vector<16xf32>,
    } {sc.loop_unroll_factor = 8 : i64, sc.parallel_access}
    %mul3A_9 = arith.constant 32768 : i32
    %mul3A_10 = arith.muli %add3A, %mul3A_9 : i32
    "tpu.region"() ({
      %run_scoped3A = tpu.sem_alloc : memref<!tpu.dma_semaphore, #tpu.memory_space<semaphore_mem>>
      %dma_start3A = tpu.memref_slice %arg2[%mul3A_10] : memref<1048576xi32, #tpu.memory_space<hbm>> -> memref<32768xi32, #tpu.memory_space<hbm>>
      %dma_start3A_17 = tpu.memref_slice %arg2[%mul3A_10] : memref<1048576xi32, #tpu.memory_space<hbm>> -> memref<32768xi32, #tpu.memory_space<hbm>>
      tpu.enqueue_dma source(%dma_start3A_17 : memref<32768xi32, #tpu.memory_space<hbm>>) target(%arg4 : memref<32768xi32, #tpu.memory_space<vmem>>) target_semaphore(%run_scoped3A : memref<!tpu.dma_semaphore, #tpu.memory_space<semaphore_mem>>)
      %dma_wait3A = tpu.memref_slice %arg2[%mul3A_10] : memref<1048576xi32, #tpu.memory_space<hbm>> -> memref<32768xi32, #tpu.memory_space<hbm>>
      %dma_wait3A_18 = tpu.memref_slice %arg2[%mul3A_10] : memref<1048576xi32, #tpu.memory_space<hbm>> -> memref<32768xi32, #tpu.memory_space<hbm>>
      tpu.wait_dma2 semaphore(%run_scoped3A : memref<!tpu.dma_semaphore, #tpu.memory_space<semaphore_mem>>) src(%dma_wait3A_18 : memref<32768xi32, #tpu.memory_space<hbm>>) dst(%arg4 : memref<32768xi32, #tpu.memory_space<vmem>>)
      tpu.yield
    }) : () -> ()
    %parallel_loop3A_11 = arith.constant 0 : i32
    %parallel_loop3A_12 = arith.constant 2048 : i32
    %parallel_loop3A_13 = arith.constant 1 : i32
    scf.for %parallel_loop3A_17 = %parallel_loop3A_11 to %parallel_loop3A_12 step %parallel_loop3A_13  : i32 {
      %parallel_loop3A_18 = arith.constant 16 : i32
      %parallel_loop3A_19 = arith.muli %parallel_loop3A_17, %parallel_loop3A_18 : i32
      %parallel_loop3A_20 = arith.index_cast %parallel_loop3A_19 : i32 to index
      %parallel_loop3A_21 = tpu.vector_load %arg4[%parallel_loop3A_20] {strides = array<i32>} : memref<32768xi32, #tpu.memory_space<vmem>>, vector<16xi32>,
      %parallel_loop3A_22 = arith.addi %mul3A_6, %parallel_loop3A_21 : vector<16xi32>
      tpu.vector_store_idx %arg5[%parallel_loop3A_22], %broadcast_in_dim3A_3 {add = true} : memref<65536xf32, #tpu.memory_space<vmem>>[vector<16xi32>], vector<16xf32>,
    } {sc.loop_unroll_factor = 8 : i64, sc.parallel_access}
    %parallel_loop3A_14 = arith.constant 0 : i32
    %parallel_loop3A_15 = arith.constant 256 : i32
    %parallel_loop3A_16 = arith.constant 1 : i32
    scf.for %parallel_loop3A_17 = %parallel_loop3A_14 to %parallel_loop3A_15 step %parallel_loop3A_16  : i32 {
      %parallel_loop3A_18 = arith.constant 16 : i32
      %parallel_loop3A_19 = arith.muli %parallel_loop3A_17, %parallel_loop3A_18 : i32
      %parallel_loop3A_20 = arith.index_cast %parallel_loop3A_19 : i32 to index
      %parallel_loop3A_21 = tpu.vector_load %arg5[%parallel_loop3A_20] {strides = array<i32>} : memref<65536xf32, #tpu.memory_space<vmem>>, vector<16xf32>,
      %parallel_loop3A_22 = arith.constant 16 : i32
      %parallel_loop3A_23 = arith.muli %parallel_loop3A_17, %parallel_loop3A_22 : i32
      %parallel_loop3A_24 = arith.constant 4096 : i32
      %parallel_loop3A_25 = arith.addi %parallel_loop3A_24, %parallel_loop3A_23 : i32
      %parallel_loop3A_26 = arith.index_cast %parallel_loop3A_25 : i32 to index
      %parallel_loop3A_27 = tpu.vector_load %arg5[%parallel_loop3A_26] {strides = array<i32>} : memref<65536xf32, #tpu.memory_space<vmem>>, vector<16xf32>,
      %parallel_loop3A_28 = arith.addf %parallel_loop3A_21, %parallel_loop3A_27 : vector<16xf32>
      %parallel_loop3A_29 = arith.constant 16 : i32
      %parallel_loop3A_30 = arith.muli %parallel_loop3A_17, %parallel_loop3A_29 : i32
      %parallel_loop3A_31 = arith.constant 8192 : i32
      %parallel_loop3A_32 = arith.addi %parallel_loop3A_31, %parallel_loop3A_30 : i32
      %parallel_loop3A_33 = arith.index_cast %parallel_loop3A_32 : i32 to index
      %parallel_loop3A_34 = tpu.vector_load %arg5[%parallel_loop3A_33] {strides = array<i32>} : memref<65536xf32, #tpu.memory_space<vmem>>, vector<16xf32>,
      %parallel_loop3A_35 = arith.addf %parallel_loop3A_28, %parallel_loop3A_34 : vector<16xf32>
      %parallel_loop3A_36 = arith.constant 16 : i32
      %parallel_loop3A_37 = arith.muli %parallel_loop3A_17, %parallel_loop3A_36 : i32
      %parallel_loop3A_38 = arith.constant 12288 : i32
      %parallel_loop3A_39 = arith.addi %parallel_loop3A_38, %parallel_loop3A_37 : i32
      %parallel_loop3A_40 = arith.index_cast %parallel_loop3A_39 : i32 to index
      %parallel_loop3A_41 = tpu.vector_load %arg5[%parallel_loop3A_40] {strides = array<i32>} : memref<65536xf32, #tpu.memory_space<vmem>>, vector<16xf32>,
      %parallel_loop3A_42 = arith.addf %parallel_loop3A_35, %parallel_loop3A_41 : vector<16xf32>
      %parallel_loop3A_43 = arith.constant 16 : i32
      %parallel_loop3A_44 = arith.muli %parallel_loop3A_17, %parallel_loop3A_43 : i32
      %parallel_loop3A_45 = arith.constant 16384 : i32
      %parallel_loop3A_46 = arith.addi %parallel_loop3A_45, %parallel_loop3A_44 : i32
      %parallel_loop3A_47 = arith.index_cast %parallel_loop3A_46 : i32 to index
      %parallel_loop3A_48 = tpu.vector_load %arg5[%parallel_loop3A_47] {strides = array<i32>} : memref<65536xf32, #tpu.memory_space<vmem>>, vector<16xf32>,
      %parallel_loop3A_49 = arith.addf %parallel_loop3A_42, %parallel_loop3A_48 : vector<16xf32>
      %parallel_loop3A_50 = arith.constant 16 : i32
      %parallel_loop3A_51 = arith.muli %parallel_loop3A_17, %parallel_loop3A_50 : i32
      %parallel_loop3A_52 = arith.constant 20480 : i32
      %parallel_loop3A_53 = arith.addi %parallel_loop3A_52, %parallel_loop3A_51 : i32
      %parallel_loop3A_54 = arith.index_cast %parallel_loop3A_53 : i32 to index
      %parallel_loop3A_55 = tpu.vector_load %arg5[%parallel_loop3A_54] {strides = array<i32>} : memref<65536xf32, #tpu.memory_space<vmem>>, vector<16xf32>,
      %parallel_loop3A_56 = arith.addf %parallel_loop3A_49, %parallel_loop3A_55 : vector<16xf32>
      %parallel_loop3A_57 = arith.constant 16 : i32
      %parallel_loop3A_58 = arith.muli %parallel_loop3A_17, %parallel_loop3A_57 : i32
      %parallel_loop3A_59 = arith.constant 24576 : i32
      %parallel_loop3A_60 = arith.addi %parallel_loop3A_59, %parallel_loop3A_58 : i32
      %parallel_loop3A_61 = arith.index_cast %parallel_loop3A_60 : i32 to index
      %parallel_loop3A_62 = tpu.vector_load %arg5[%parallel_loop3A_61] {strides = array<i32>} : memref<65536xf32, #tpu.memory_space<vmem>>, vector<16xf32>,
      %parallel_loop3A_63 = arith.addf %parallel_loop3A_56, %parallel_loop3A_62 : vector<16xf32>
      %parallel_loop3A_64 = arith.constant 16 : i32
      %parallel_loop3A_65 = arith.muli %parallel_loop3A_17, %parallel_loop3A_64 : i32
      %parallel_loop3A_66 = arith.constant 28672 : i32
      %parallel_loop3A_67 = arith.addi %parallel_loop3A_66, %parallel_loop3A_65 : i32
      %parallel_loop3A_68 = arith.index_cast %parallel_loop3A_67 : i32 to index
      %parallel_loop3A_69 = tpu.vector_load %arg5[%parallel_loop3A_68] {strides = array<i32>} : memref<65536xf32, #tpu.memory_space<vmem>>, vector<16xf32>,
      %parallel_loop3A_70 = arith.addf %parallel_loop3A_63, %parallel_loop3A_69 : vector<16xf32>
      %parallel_loop3A_71 = arith.constant 16 : i32
      %parallel_loop3A_72 = arith.muli %parallel_loop3A_17, %parallel_loop3A_71 : i32
      %parallel_loop3A_73 = arith.constant 32768 : i32
      %parallel_loop3A_74 = arith.addi %parallel_loop3A_73, %parallel_loop3A_72 : i32
      %parallel_loop3A_75 = arith.index_cast %parallel_loop3A_74 : i32 to index
      %parallel_loop3A_76 = tpu.vector_load %arg5[%parallel_loop3A_75] {strides = array<i32>} : memref<65536xf32, #tpu.memory_space<vmem>>, vector<16xf32>,
      %parallel_loop3A_77 = arith.addf %parallel_loop3A_70, %parallel_loop3A_76 : vector<16xf32>
      %parallel_loop3A_78 = arith.constant 16 : i32
      %parallel_loop3A_79 = arith.muli %parallel_loop3A_17, %parallel_loop3A_78 : i32
      %parallel_loop3A_80 = arith.constant 36864 : i32
      %parallel_loop3A_81 = arith.addi %parallel_loop3A_80, %parallel_loop3A_79 : i32
      %parallel_loop3A_82 = arith.index_cast %parallel_loop3A_81 : i32 to index
      %parallel_loop3A_83 = tpu.vector_load %arg5[%parallel_loop3A_82] {strides = array<i32>} : memref<65536xf32, #tpu.memory_space<vmem>>, vector<16xf32>,
      %parallel_loop3A_84 = arith.addf %parallel_loop3A_77, %parallel_loop3A_83 : vector<16xf32>
      %parallel_loop3A_85 = arith.constant 16 : i32
      %parallel_loop3A_86 = arith.muli %parallel_loop3A_17, %parallel_loop3A_85 : i32
      %parallel_loop3A_87 = arith.constant 40960 : i32
      %parallel_loop3A_88 = arith.addi %parallel_loop3A_87, %parallel_loop3A_86 : i32
      %parallel_loop3A_89 = arith.index_cast %parallel_loop3A_88 : i32 to index
      %parallel_loop3A_90 = tpu.vector_load %arg5[%parallel_loop3A_89] {strides = array<i32>} : memref<65536xf32, #tpu.memory_space<vmem>>, vector<16xf32>,
      %parallel_loop3A_91 = arith.addf %parallel_loop3A_84, %parallel_loop3A_90 : vector<16xf32>
      %parallel_loop3A_92 = arith.constant 16 : i32
      %parallel_loop3A_93 = arith.muli %parallel_loop3A_17, %parallel_loop3A_92 : i32
      %parallel_loop3A_94 = arith.constant 45056 : i32
      %parallel_loop3A_95 = arith.addi %parallel_loop3A_94, %parallel_loop3A_93 : i32
      %parallel_loop3A_96 = arith.index_cast %parallel_loop3A_95 : i32 to index
      %parallel_loop3A_97 = tpu.vector_load %arg5[%parallel_loop3A_96] {strides = array<i32>} : memref<65536xf32, #tpu.memory_space<vmem>>, vector<16xf32>,
      %parallel_loop3A_98 = arith.addf %parallel_loop3A_91, %parallel_loop3A_97 : vector<16xf32>
      %parallel_loop3A_99 = arith.constant 16 : i32
      %parallel_loop3A_100 = arith.muli %parallel_loop3A_17, %parallel_loop3A_99 : i32
      %parallel_loop3A_101 = arith.constant 49152 : i32
      %parallel_loop3A_102 = arith.addi %parallel_loop3A_101, %parallel_loop3A_100 : i32
      %parallel_loop3A_103 = arith.index_cast %parallel_loop3A_102 : i32 to index
      %parallel_loop3A_104 = tpu.vector_load %arg5[%parallel_loop3A_103] {strides = array<i32>} : memref<65536xf32, #tpu.memory_space<vmem>>, vector<16xf32>,
      %parallel_loop3A_105 = arith.addf %parallel_loop3A_98, %parallel_loop3A_104 : vector<16xf32>
      %parallel_loop3A_106 = arith.constant 16 : i32
      %parallel_loop3A_107 = arith.muli %parallel_loop3A_17, %parallel_loop3A_106 : i32
      %parallel_loop3A_108 = arith.constant 53248 : i32
      %parallel_loop3A_109 = arith.addi %parallel_loop3A_108, %parallel_loop3A_107 : i32
      %parallel_loop3A_110 = arith.index_cast %parallel_loop3A_109 : i32 to index
      %parallel_loop3A_111 = tpu.vector_load %arg5[%parallel_loop3A_110] {strides = array<i32>} : memref<65536xf32, #tpu.memory_space<vmem>>, vector<16xf32>,
      %parallel_loop3A_112 = arith.addf %parallel_loop3A_105, %parallel_loop3A_111 : vector<16xf32>
      %parallel_loop3A_113 = arith.constant 16 : i32
      %parallel_loop3A_114 = arith.muli %parallel_loop3A_17, %parallel_loop3A_113 : i32
      %parallel_loop3A_115 = arith.constant 57344 : i32
      %parallel_loop3A_116 = arith.addi %parallel_loop3A_115, %parallel_loop3A_114 : i32
      %parallel_loop3A_117 = arith.index_cast %parallel_loop3A_116 : i32 to index
      %parallel_loop3A_118 = tpu.vector_load %arg5[%parallel_loop3A_117] {strides = array<i32>} : memref<65536xf32, #tpu.memory_space<vmem>>, vector<16xf32>,
      %parallel_loop3A_119 = arith.addf %parallel_loop3A_112, %parallel_loop3A_118 : vector<16xf32>
      %parallel_loop3A_120 = arith.constant 16 : i32
      %parallel_loop3A_121 = arith.muli %parallel_loop3A_17, %parallel_loop3A_120 : i32
      %parallel_loop3A_122 = arith.constant 61440 : i32
      %parallel_loop3A_123 = arith.addi %parallel_loop3A_122, %parallel_loop3A_121 : i32
      %parallel_loop3A_124 = arith.index_cast %parallel_loop3A_123 : i32 to index
      %parallel_loop3A_125 = tpu.vector_load %arg5[%parallel_loop3A_124] {strides = array<i32>} : memref<65536xf32, #tpu.memory_space<vmem>>, vector<16xf32>,
      %parallel_loop3A_126 = arith.addf %parallel_loop3A_119, %parallel_loop3A_125 : vector<16xf32>
      %parallel_loop3A_127 = arith.constant 16 : i32
      %parallel_loop3A_128 = arith.muli %parallel_loop3A_17, %parallel_loop3A_127 : i32
      %parallel_loop3A_129 = arith.index_cast %parallel_loop3A_128 : i32 to index
      %parallel_loop3A_130 = tpu.vector_load %arg6[%parallel_loop3A_129] {strides = array<i32>} : memref<4096xf32, #tpu.memory_space<vmem>>, vector<16xf32>,
      tpu.vector_store %arg6[%parallel_loop3A_129], %parallel_loop3A_126 {strides = array<i32>} : memref<4096xf32, #tpu.memory_space<vmem>>, vector<16xf32>,
    } {sc.loop_unroll_factor = 2 : i64, sc.parallel_access}
    "tpu.region"() ({
      %run_scoped3A = tpu.sem_alloc : memref<!tpu.dma_semaphore, #tpu.memory_space<semaphore_mem>>
      %dma_start3A = arith.constant 0 : i32
      %dma_start3A_17 = tpu.memref_slice %arg3[%add3A, %dma_start3A] : memref<32x4096xf32, #tpu.memory_space<hbm>> -> memref<1x4096xf32, #tpu.memory_space<hbm>>
      %dma_start3A_18 = tpu.memref_squeeze %dma_start3A_17 : memref<1x4096xf32, #tpu.memory_space<hbm>> -> memref<4096xf32, #tpu.memory_space<hbm>>
      %dma_start3A_19 = arith.constant 0 : i32
      %dma_start3A_20 = tpu.memref_slice %arg3[%add3A, %dma_start3A_19] : memref<32x4096xf32, #tpu.memory_space<hbm>> -> memref<1x4096xf32, #tpu.memory_space<hbm>>
      %dma_start3A_21 = tpu.memref_squeeze %dma_start3A_20 : memref<1x4096xf32, #tpu.memory_space<hbm>> -> memref<4096xf32, #tpu.memory_space<hbm>>
      tpu.enqueue_dma source(%arg6 : memref<4096xf32, #tpu.memory_space<vmem>>) target(%dma_start3A_21 : memref<4096xf32, #tpu.memory_space<hbm>>) target_semaphore(%run_scoped3A : memref<!tpu.dma_semaphore, #tpu.memory_space<semaphore_mem>>)
      %dma_wait3A = arith.constant 0 : i32
      %dma_wait3A_22 = tpu.memref_slice %arg3[%add3A, %dma_wait3A] : memref<32x4096xf32, #tpu.memory_space<hbm>> -> memref<1x4096xf32, #tpu.memory_space<hbm>>
      %dma_wait3A_23 = tpu.memref_squeeze %dma_wait3A_22 : memref<1x4096xf32, #tpu.memory_space<hbm>> -> memref<4096xf32, #tpu.memory_space<hbm>>
      %dma_wait3A_24 = arith.constant 0 : i32
      %dma_wait3A_25 = tpu.memref_slice %arg3[%add3A, %dma_wait3A_24] : memref<32x4096xf32, #tpu.memory_space<hbm>> -> memref<1x4096xf32, #tpu.memory_space<hbm>>
      %dma_wait3A_26 = tpu.memref_squeeze %dma_wait3A_25 : memref<1x4096xf32, #tpu.memory_space<hbm>> -> memref<4096xf32, #tpu.memory_space<hbm>>
      tpu.wait_dma2 semaphore(%run_scoped3A : memref<!tpu.dma_semaphore, #tpu.memory_space<semaphore_mem>>) src(%arg6 : memref<4096xf32, #tpu.memory_space<vmem>>) dst(%dma_wait3A_26 : memref<4096xf32, #tpu.memory_space<hbm>>)
      tpu.yield
    }) : () -> ()
    return
  }
}

module attributes {stable_mosaic.version = 14 : i64} {
  func.func @_tc_body(%arg0: i32, %arg1: memref<512x8x128xf32, #tpu.memory_space<vmem>>, %arg2: memref<512x8x128xf32, #tpu.memory_space<vmem>>, %arg3: memref<512x8x128xi16, #tpu.memory_space<vmem>>, %arg4: memref<512x1x128xi32, #tpu.memory_space<vmem>>, %arg5: memref<1x1x128xf32, #tpu.memory_space<vmem>>) attributes {dimension_semantics = [#tpu.dimension_semantics<arbitrary>], iteration_bounds = array<i64: 16>, scalar_prefetch = 0 : i64, scratch_operands = 0 : i64, tpu.core_type = #tpu.core_type<tc>, window_params = [{transform_indices = @transform_0, window_bounds = array<i64: 512, 8, 128>}, {transform_indices = @transform_1, window_bounds = array<i64: 512, 8, 128>}, {transform_indices = @transform_2, window_bounds = array<i64: 512, 8, 128>}, {transform_indices = @transform_3, window_bounds = array<i64: 512, 1, 128>}, {transform_indices = @transform_4, window_bounds = array<i64: 1, 1, 128>}]} {
    %get3A = arith.constant 0 : index
    %get3A_0 = arith.constant 0 : index
    %get3A_1 = arith.constant 0 : index
    %get3A_2 = vector.load %arg1[%get3A, %get3A_0, %get3A_1] : memref<512x8x128xf32, #tpu.memory_space<vmem>>, vector<512x8x128xf32>
    %iota3A = tpu.iota {dimensions = array<i32: 1>} : vector<1x8x1xi32>
    %shift_right_arithmetic3A = arith.constant 2 : i32
    %shift_right_arithmetic3A_3 = vector.broadcast %shift_right_arithmetic3A : i32 to vector<1x8x1xi32>
    %shift_right_arithmetic3A_4 = arith.shrsi %iota3A, %shift_right_arithmetic3A_3 : vector<1x8x1xi32>
    %and3A = arith.constant 1 : i32
    %and3A_5 = vector.broadcast %and3A : i32 to vector<1x8x1xi32>
    %and3A_6 = arith.andi %shift_right_arithmetic3A_4, %and3A_5 : vector<1x8x1xi32>
    %mul3A = arith.constant 2 : i32
    %mul3A_7 = vector.broadcast %mul3A : i32 to vector<1x8x1xi32>
    %mul3A_8 = arith.muli %mul3A_7, %and3A_6 : vector<1x8x1xi32>
    %sub3A = arith.constant 1 : i32
    %sub3A_9 = vector.broadcast %sub3A : i32 to vector<1x8x1xi32>
    %sub3A_10 = arith.subi %sub3A_9, %mul3A_8 : vector<1x8x1xi32>
    %convert_element_type3A = arith.sitofp %sub3A_10 : vector<1x8x1xi32> to vector<1x8x1xf32>
    %shift_right_arithmetic3A_11 = arith.constant 1 : i32
    %shift_right_arithmetic3A_12 = vector.broadcast %shift_right_arithmetic3A_11 : i32 to vector<1x8x1xi32>
    %shift_right_arithmetic3A_13 = arith.shrsi %iota3A, %shift_right_arithmetic3A_12 : vector<1x8x1xi32>
    %and3A_14 = arith.constant 1 : i32
    %and3A_15 = vector.broadcast %and3A_14 : i32 to vector<1x8x1xi32>
    %and3A_16 = arith.andi %shift_right_arithmetic3A_13, %and3A_15 : vector<1x8x1xi32>
    %mul3A_17 = arith.constant 2 : i32
    %mul3A_18 = vector.broadcast %mul3A_17 : i32 to vector<1x8x1xi32>
    %mul3A_19 = arith.muli %mul3A_18, %and3A_16 : vector<1x8x1xi32>
    %sub3A_20 = arith.constant 1 : i32
    %sub3A_21 = vector.broadcast %sub3A_20 : i32 to vector<1x8x1xi32>
    %sub3A_22 = arith.subi %sub3A_21, %mul3A_19 : vector<1x8x1xi32>
    %convert_element_type3A_23 = arith.sitofp %sub3A_22 : vector<1x8x1xi32> to vector<1x8x1xf32>
    %and3A_24 = arith.constant 1 : i32
    %and3A_25 = vector.broadcast %and3A_24 : i32 to vector<1x8x1xi32>
    %and3A_26 = arith.andi %iota3A, %and3A_25 : vector<1x8x1xi32>
    %mul3A_27 = arith.constant 2 : i32
    %mul3A_28 = vector.broadcast %mul3A_27 : i32 to vector<1x8x1xi32>
    %mul3A_29 = arith.muli %mul3A_28, %and3A_26 : vector<1x8x1xi32>
    %sub3A_30 = arith.constant 1 : i32
    %sub3A_31 = vector.broadcast %sub3A_30 : i32 to vector<1x8x1xi32>
    %sub3A_32 = arith.subi %sub3A_31, %mul3A_29 : vector<1x8x1xi32>
    %convert_element_type3A_33 = arith.sitofp %sub3A_32 : vector<1x8x1xi32> to vector<1x8x1xf32>
    %slice3A = vector.extract_strided_slice %get3A_2 {offsets = [0, 4, 0], sizes = [512, 4, 128], strides = [1, 1, 1]} : vector<512x8x128xf32> to vector<512x4x128xf32>
    %slice3A_34 = vector.extract_strided_slice %get3A_2 {offsets = [0, 0, 0], sizes = [512, 4, 128], strides = [1, 1, 1]} : vector<512x8x128xf32> to vector<512x4x128xf32>
    %concatenate3A = tpu.concatenate %slice3A, %slice3A_34 in 1 : vector<512x4x128xf32>, vector<512x4x128xf32> -> vector<512x8x128xf32>
    %mul3A_35 = vector.broadcast %convert_element_type3A : vector<1x8x1xf32> to vector<512x8x128xf32>
    %mul3A_36 = arith.mulf %mul3A_35, %get3A_2 : vector<512x8x128xf32>
    %add3A = arith.addf %concatenate3A, %mul3A_36 : vector<512x8x128xf32>
    %shift_right_arithmetic3A_37 = arith.constant 1 : i32
    %shift_right_arithmetic3A_38 = vector.broadcast %shift_right_arithmetic3A_37 : i32 to vector<1x8x1xi32>
    %shift_right_arithmetic3A_39 = arith.shrsi %iota3A, %shift_right_arithmetic3A_38 : vector<1x8x1xi32>
    %and3A_40 = arith.constant 1 : i32
    %and3A_41 = vector.broadcast %and3A_40 : i32 to vector<1x8x1xi32>
    %and3A_42 = arith.andi %shift_right_arithmetic3A_39, %and3A_41 : vector<1x8x1xi32>
    %eq3A = arith.constant 0 : i32
    %eq3A_43 = vector.broadcast %eq3A : i32 to vector<1x8x1xi32>
    %eq3A_44 = arith.cmpi eq, %and3A_42, %eq3A_43 : vector<1x8x1xi32>
    %slice3A_45 = vector.extract_strided_slice %add3A {offsets = [0, 2, 0], sizes = [512, 6, 128], strides = [1, 1, 1]} : vector<512x8x128xf32> to vector<512x6x128xf32>
    %slice3A_46 = vector.extract_strided_slice %add3A {offsets = [0, 0, 0], sizes = [512, 2, 128], strides = [1, 1, 1]} : vector<512x8x128xf32> to vector<512x2x128xf32>
    %concatenate3A_47 = tpu.concatenate %slice3A_45, %slice3A_46 in 1 : vector<512x6x128xf32>, vector<512x2x128xf32> -> vector<512x8x128xf32>
    %slice3A_48 = vector.extract_strided_slice %add3A {offsets = [0, 6, 0], sizes = [512, 2, 128], strides = [1, 1, 1]} : vector<512x8x128xf32> to vector<512x2x128xf32>
    %slice3A_49 = vector.extract_strided_slice %add3A {offsets = [0, 0, 0], sizes = [512, 6, 128], strides = [1, 1, 1]} : vector<512x8x128xf32> to vector<512x6x128xf32>
    %concatenate3A_50 = tpu.concatenate %slice3A_48, %slice3A_49 in 1 : vector<512x2x128xf32>, vector<512x6x128xf32> -> vector<512x8x128xf32>
    %broadcast_in_dim3A = vector.shape_cast %eq3A_44 : vector<1x8x1xi1> to vector<1x8x1xi1>
    %broadcast_in_dim3A_51 = vector.broadcast %broadcast_in_dim3A : vector<1x8x1xi1> to vector<512x8x128xi1>
    %select_n3A = arith.select %broadcast_in_dim3A_51, %concatenate3A_47, %concatenate3A_50 : vector<512x8x128xi1>, vector<512x8x128xf32>
    %mul3A_52 = vector.broadcast %convert_element_type3A_23 : vector<1x8x1xf32> to vector<512x8x128xf32>
    %mul3A_53 = arith.mulf %mul3A_52, %add3A : vector<512x8x128xf32>
    %add3A_54 = arith.addf %select_n3A, %mul3A_53 : vector<512x8x128xf32>
    %and3A_55 = arith.constant 1 : i32
    %and3A_56 = vector.broadcast %and3A_55 : i32 to vector<1x8x1xi32>
    %and3A_57 = arith.andi %iota3A, %and3A_56 : vector<1x8x1xi32>
    %eq3A_58 = arith.constant 0 : i32
    %eq3A_59 = vector.broadcast %eq3A_58 : i32 to vector<1x8x1xi32>
    %eq3A_60 = arith.cmpi eq, %and3A_57, %eq3A_59 : vector<1x8x1xi32>
    %slice3A_61 = vector.extract_strided_slice %add3A_54 {offsets = [0, 1, 0], sizes = [512, 7, 128], strides = [1, 1, 1]} : vector<512x8x128xf32> to vector<512x7x128xf32>
    %slice3A_62 = vector.extract_strided_slice %add3A_54 {offsets = [0, 0, 0], sizes = [512, 1, 128], strides = [1, 1, 1]} : vector<512x8x128xf32> to vector<512x1x128xf32>
    %concatenate3A_63 = tpu.concatenate %slice3A_61, %slice3A_62 in 1 : vector<512x7x128xf32>, vector<512x1x128xf32> -> vector<512x8x128xf32>
    %slice3A_64 = vector.extract_strided_slice %add3A_54 {offsets = [0, 7, 0], sizes = [512, 1, 128], strides = [1, 1, 1]} : vector<512x8x128xf32> to vector<512x1x128xf32>
    %slice3A_65 = vector.extract_strided_slice %add3A_54 {offsets = [0, 0, 0], sizes = [512, 7, 128], strides = [1, 1, 1]} : vector<512x8x128xf32> to vector<512x7x128xf32>
    %concatenate3A_66 = tpu.concatenate %slice3A_64, %slice3A_65 in 1 : vector<512x1x128xf32>, vector<512x7x128xf32> -> vector<512x8x128xf32>
    %broadcast_in_dim3A_67 = vector.shape_cast %eq3A_60 : vector<1x8x1xi1> to vector<1x8x1xi1>
    %broadcast_in_dim3A_68 = vector.broadcast %broadcast_in_dim3A_67 : vector<1x8x1xi1> to vector<512x8x128xi1>
    %select_n3A_69 = arith.select %broadcast_in_dim3A_68, %concatenate3A_63, %concatenate3A_66 : vector<512x8x128xi1>, vector<512x8x128xf32>
    %mul3A_70 = vector.broadcast %convert_element_type3A_33 : vector<1x8x1xf32> to vector<512x8x128xf32>
    %mul3A_71 = arith.mulf %mul3A_70, %add3A_54 : vector<512x8x128xf32>
    %add3A_72 = arith.addf %select_n3A_69, %mul3A_71 : vector<512x8x128xf32>
    %mul3A_73 = arith.constant 0.353553385 : f32
    %mul3A_74 = vector.broadcast %mul3A_73 : f32 to vector<512x8x128xf32>
    %mul3A_75 = arith.mulf %add3A_72, %mul3A_74 : vector<512x8x128xf32>
    %round3A = math.roundeven %mul3A_75 : vector<512x8x128xf32>
    %sub3A_76 = arith.subf %mul3A_75, %round3A : vector<512x8x128xf32>
    %abs3A = math.absf %sub3A_76 : vector<512x8x128xf32>
    %lt3A = arith.constant 0.000000e+00 : f32
    %lt3A_77 = vector.broadcast %lt3A : f32 to vector<512x8x128xf32>
    %lt3A_78 = arith.cmpf olt, %sub3A_76, %lt3A_77 : vector<512x8x128xf32>
    %jit3A = arith.constant 1.000000e+00 : f32
    %jit3A_79 = arith.constant 0.000000e+00 : f32
    %broadcast_in_dim3A_80 = vector.broadcast %jit3A : f32 to vector<512x8x128xf32>
    %broadcast_in_dim3A_81 = vector.broadcast %jit3A_79 : f32 to vector<512x8x128xf32>
    %select_n3A_82 = arith.select %lt3A_78, %broadcast_in_dim3A_80, %broadcast_in_dim3A_81 : vector<512x8x128xi1>, vector<512x8x128xf32>
    %mul3A_83 = arith.constant 2.000000e+00 : f32
    %mul3A_84 = vector.broadcast %mul3A_83 : f32 to vector<512x8x128xf32>
    %mul3A_85 = arith.mulf %mul3A_84, %select_n3A_82 : vector<512x8x128xf32>
    %sub3A_86 = arith.constant 1.000000e+00 : f32
    %sub3A_87 = vector.broadcast %sub3A_86 : f32 to vector<512x8x128xf32>
    %sub3A_88 = arith.subf %sub3A_87, %mul3A_85 : vector<512x8x128xf32>
    %mul3A_89 = arith.constant 2.048000e+03 : f32
    %mul3A_90 = vector.broadcast %mul3A_89 : f32 to vector<512x8x128xf32>
    %mul3A_91 = arith.mulf %mul3A_90, %select_n3A_82 : vector<512x8x128xf32>
    %add3A_92 = arith.addf %round3A, %mul3A_91 : vector<512x8x128xf32>
    %reduce_sum3A = arith.constant dense<0.000000e+00> : vector<512x128xf32>
    %reduce_sum3A_93 = vector.multi_reduction <add>, %add3A_92, %reduce_sum3A [1] : vector<512x8x128xf32> to vector<512x128xf32>
    %broadcast_in_dim3A_94 = vector.shape_cast %reduce_sum3A_93 : vector<512x128xf32> to vector<512x1x128xf32>
    %mul3A_95 = arith.mulf %sub3A_76, %sub3A_76 : vector<512x8x128xf32>
    %reduce_sum3A_96 = arith.constant dense<0.000000e+00> : vector<512x128xf32>
    %reduce_sum3A_97 = vector.multi_reduction <add>, %mul3A_95, %reduce_sum3A_96 [1] : vector<512x8x128xf32> to vector<512x128xf32>
    %broadcast_in_dim3A_98 = vector.shape_cast %reduce_sum3A_97 : vector<512x128xf32> to vector<512x1x128xf32>
    %reduce_sum3A_99 = arith.constant dense<0.000000e+00> : vector<512x128xf32>
    %reduce_sum3A_100 = vector.multi_reduction <add>, %abs3A, %reduce_sum3A_99 [1] : vector<512x8x128xf32> to vector<512x128xf32>
    %broadcast_in_dim3A_101 = vector.shape_cast %reduce_sum3A_100 : vector<512x128xf32> to vector<512x1x128xf32>
    %reduce_max3A = arith.constant dense<0xFF800000> : vector<512x128xf32>
    %reduce_max3A_102 = vector.multi_reduction <maximumf>, %abs3A, %reduce_max3A [1] : vector<512x8x128xf32> to vector<512x128xf32>
    %broadcast_in_dim3A_103 = vector.shape_cast %reduce_max3A_102 : vector<512x128xf32> to vector<512x1x128xf32>
    %reduce_min3A = arith.constant dense<0x7F800000> : vector<512x128xf32>
    %reduce_min3A_104 = vector.multi_reduction <minimumf>, %abs3A, %reduce_min3A [1] : vector<512x8x128xf32> to vector<512x128xf32>
    %broadcast_in_dim3A_105 = vector.shape_cast %reduce_min3A_104 : vector<512x128xf32> to vector<512x1x128xf32>
    %mul3A_106 = arith.constant 4.8828125E-4 : f32
    %mul3A_107 = vector.broadcast %mul3A_106 : f32 to vector<512x1x128xf32>
    %mul3A_108 = arith.mulf %broadcast_in_dim3A_94, %mul3A_107 : vector<512x1x128xf32>
    %round3A_109 = math.roundeven %mul3A_108 : vector<512x1x128xf32>
    %mul3A_110 = arith.constant 2.048000e+03 : f32
    %mul3A_111 = vector.broadcast %mul3A_110 : f32 to vector<512x1x128xf32>
    %mul3A_112 = arith.mulf %mul3A_111, %round3A_109 : vector<512x1x128xf32>
    %sub3A_113 = arith.subf %broadcast_in_dim3A_94, %mul3A_112 : vector<512x1x128xf32>
    %convert_element_type3A_114 = arith.fptosi %sub3A_113 : vector<512x1x128xf32> to vector<512x1x128xi32>
    %and3A_115 = arith.constant 1 : i32
    %and3A_116 = vector.broadcast %and3A_115 : i32 to vector<512x1x128xi32>
    %and3A_117 = arith.andi %convert_element_type3A_114, %and3A_116 : vector<512x1x128xi32>
    %convert_element_type3A_118 = arith.sitofp %and3A_117 : vector<512x1x128xi32> to vector<512x1x128xf32>
    %sub3A_119 = arith.subf %sub3A_113, %round3A_109 : vector<512x1x128xf32>
    %convert_element_type3A_120 = arith.fptosi %sub3A_119 : vector<512x1x128xf32> to vector<512x1x128xi32>
    %and3A_121 = arith.constant 1 : i32
    %and3A_122 = vector.broadcast %and3A_121 : i32 to vector<512x1x128xi32>
    %and3A_123 = arith.andi %convert_element_type3A_120, %and3A_122 : vector<512x1x128xi32>
    %convert_element_type3A_124 = arith.sitofp %and3A_123 : vector<512x1x128xi32> to vector<512x1x128xf32>
    %mul3A_125 = arith.constant 2.000000e+00 : f32
    %mul3A_126 = vector.broadcast %mul3A_125 : f32 to vector<512x1x128xf32>
    %mul3A_127 = arith.mulf %mul3A_126, %broadcast_in_dim3A_103 : vector<512x1x128xf32>
    %sub3A_128 = arith.constant 1.000000e+00 : f32
    %sub3A_129 = vector.broadcast %sub3A_128 : f32 to vector<512x1x128xf32>
    %sub3A_130 = arith.subf %sub3A_129, %mul3A_127 : vector<512x1x128xf32>
    %mul3A_131 = arith.mulf %convert_element_type3A_118, %sub3A_130 : vector<512x1x128xf32>
    %add3A_132 = arith.addf %broadcast_in_dim3A_98, %mul3A_131 : vector<512x1x128xf32>
    %sub3A_133 = arith.subf %broadcast_in_dim3A_98, %broadcast_in_dim3A_101 : vector<512x1x128xf32>
    %add3A_134 = arith.constant 2.000000e+00 : f32
    %add3A_135 = vector.broadcast %add3A_134 : f32 to vector<512x1x128xf32>
    %add3A_136 = arith.addf %sub3A_133, %add3A_135 : vector<512x1x128xf32>
    %mul3A_137 = arith.constant 2.000000e+00 : f32
    %mul3A_138 = vector.broadcast %mul3A_137 : f32 to vector<512x1x128xf32>
    %mul3A_139 = arith.mulf %mul3A_138, %broadcast_in_dim3A_105 : vector<512x1x128xf32>
    %mul3A_140 = arith.mulf %convert_element_type3A_124, %mul3A_139 : vector<512x1x128xf32>
    %add3A_141 = arith.addf %add3A_136, %mul3A_140 : vector<512x1x128xf32>
    %le3A = arith.cmpf ole, %add3A_132, %add3A_141 : vector<512x1x128xf32>
    %select_n3A_142 = arith.select %le3A, %broadcast_in_dim3A_103, %broadcast_in_dim3A_105 : vector<512x1x128xi1>, vector<512x1x128xf32>
    %neg3A = arith.constant 0.000000e+00 : f32
    %neg3A_143 = vector.broadcast %neg3A : f32 to vector<512x1x128xf32>
    %neg3A_144 = arith.subf %neg3A_143, %convert_element_type3A_124 : vector<512x1x128xf32>
    %select_n3A_145 = arith.select %le3A, %convert_element_type3A_118, %neg3A_144 : vector<512x1x128xi1>, vector<512x1x128xf32>
    %jit3A_146 = arith.constant 0.000000e+00 : f32
    %jit3A_147 = arith.constant 5.000000e-01 : f32
    %broadcast_in_dim3A_148 = vector.broadcast %jit3A_146 : f32 to vector<512x1x128xf32>
    %broadcast_in_dim3A_149 = vector.broadcast %jit3A_147 : f32 to vector<512x1x128xf32>
    %select_n3A_150 = arith.select %le3A, %broadcast_in_dim3A_148, %broadcast_in_dim3A_149 : vector<512x1x128xi1>, vector<512x1x128xf32>
    %eq3A_151 = vector.broadcast %select_n3A_142 : vector<512x1x128xf32> to vector<512x8x128xf32>
    %eq3A_152 = arith.cmpf oeq, %abs3A, %eq3A_151 : vector<512x8x128xf32>
    %jit3A_153 = arith.constant 0.000000e+00 : f32
    %broadcast_in_dim3A_154 = vector.shape_cast %select_n3A_145 : vector<512x1x128xf32> to vector<512x1x128xf32>
    %broadcast_in_dim3A_155 = vector.broadcast %broadcast_in_dim3A_154 : vector<512x1x128xf32> to vector<512x8x128xf32>
    %broadcast_in_dim3A_156 = vector.broadcast %jit3A_153 : f32 to vector<512x8x128xf32>
    %select_n3A_157 = arith.select %eq3A_152, %broadcast_in_dim3A_155, %broadcast_in_dim3A_156 : vector<512x8x128xi1>, vector<512x8x128xf32>
    %add3A_158 = vector.broadcast %select_n3A_150 : vector<512x1x128xf32> to vector<512x8x128xf32>
    %add3A_159 = arith.addf %add3A_158, %select_n3A_157 : vector<512x8x128xf32>
    %mul3A_160 = arith.mulf %sub3A_88, %add3A_159 : vector<512x8x128xf32>
    %add3A_161 = arith.addf %round3A, %mul3A_160 : vector<512x8x128xf32>
    %iota3A_162 = tpu.iota {dimensions = array<i32: 1>} : vector<1x8x1xi32>
    %shift_right_arithmetic3A_163 = arith.constant 2 : i32
    %shift_right_arithmetic3A_164 = vector.broadcast %shift_right_arithmetic3A_163 : i32 to vector<1x8x1xi32>
    %shift_right_arithmetic3A_165 = arith.shrsi %iota3A_162, %shift_right_arithmetic3A_164 : vector<1x8x1xi32>
    %and3A_166 = arith.constant 1 : i32
    %and3A_167 = vector.broadcast %and3A_166 : i32 to vector<1x8x1xi32>
    %and3A_168 = arith.andi %shift_right_arithmetic3A_165, %and3A_167 : vector<1x8x1xi32>
    %mul3A_169 = arith.constant 2 : i32
    %mul3A_170 = vector.broadcast %mul3A_169 : i32 to vector<1x8x1xi32>
    %mul3A_171 = arith.muli %mul3A_170, %and3A_168 : vector<1x8x1xi32>
    %sub3A_172 = arith.constant 1 : i32
    %sub3A_173 = vector.broadcast %sub3A_172 : i32 to vector<1x8x1xi32>
    %sub3A_174 = arith.subi %sub3A_173, %mul3A_171 : vector<1x8x1xi32>
    %convert_element_type3A_175 = arith.sitofp %sub3A_174 : vector<1x8x1xi32> to vector<1x8x1xf32>
    %shift_right_arithmetic3A_176 = arith.constant 1 : i32
    %shift_right_arithmetic3A_177 = vector.broadcast %shift_right_arithmetic3A_176 : i32 to vector<1x8x1xi32>
    %shift_right_arithmetic3A_178 = arith.shrsi %iota3A_162, %shift_right_arithmetic3A_177 : vector<1x8x1xi32>
    %and3A_179 = arith.constant 1 : i32
    %and3A_180 = vector.broadcast %and3A_179 : i32 to vector<1x8x1xi32>
    %and3A_181 = arith.andi %shift_right_arithmetic3A_178, %and3A_180 : vector<1x8x1xi32>
    %mul3A_182 = arith.constant 2 : i32
    %mul3A_183 = vector.broadcast %mul3A_182 : i32 to vector<1x8x1xi32>
    %mul3A_184 = arith.muli %mul3A_183, %and3A_181 : vector<1x8x1xi32>
    %sub3A_185 = arith.constant 1 : i32
    %sub3A_186 = vector.broadcast %sub3A_185 : i32 to vector<1x8x1xi32>
    %sub3A_187 = arith.subi %sub3A_186, %mul3A_184 : vector<1x8x1xi32>
    %convert_element_type3A_188 = arith.sitofp %sub3A_187 : vector<1x8x1xi32> to vector<1x8x1xf32>
    %and3A_189 = arith.constant 1 : i32
    %and3A_190 = vector.broadcast %and3A_189 : i32 to vector<1x8x1xi32>
    %and3A_191 = arith.andi %iota3A_162, %and3A_190 : vector<1x8x1xi32>
    %mul3A_192 = arith.constant 2 : i32
    %mul3A_193 = vector.broadcast %mul3A_192 : i32 to vector<1x8x1xi32>
    %mul3A_194 = arith.muli %mul3A_193, %and3A_191 : vector<1x8x1xi32>
    %sub3A_195 = arith.constant 1 : i32
    %sub3A_196 = vector.broadcast %sub3A_195 : i32 to vector<1x8x1xi32>
    %sub3A_197 = arith.subi %sub3A_196, %mul3A_194 : vector<1x8x1xi32>
    %convert_element_type3A_198 = arith.sitofp %sub3A_197 : vector<1x8x1xi32> to vector<1x8x1xf32>
    %slice3A_199 = vector.extract_strided_slice %add3A_161 {offsets = [0, 4, 0], sizes = [512, 4, 128], strides = [1, 1, 1]} : vector<512x8x128xf32> to vector<512x4x128xf32>
    %slice3A_200 = vector.extract_strided_slice %add3A_161 {offsets = [0, 0, 0], sizes = [512, 4, 128], strides = [1, 1, 1]} : vector<512x8x128xf32> to vector<512x4x128xf32>
    %concatenate3A_201 = tpu.concatenate %slice3A_199, %slice3A_200 in 1 : vector<512x4x128xf32>, vector<512x4x128xf32> -> vector<512x8x128xf32>
    %mul3A_202 = vector.broadcast %convert_element_type3A_175 : vector<1x8x1xf32> to vector<512x8x128xf32>
    %mul3A_203 = arith.mulf %mul3A_202, %add3A_161 : vector<512x8x128xf32>
    %add3A_204 = arith.addf %concatenate3A_201, %mul3A_203 : vector<512x8x128xf32>
    %shift_right_arithmetic3A_205 = arith.constant 1 : i32
    %shift_right_arithmetic3A_206 = vector.broadcast %shift_right_arithmetic3A_205 : i32 to vector<1x8x1xi32>
    %shift_right_arithmetic3A_207 = arith.shrsi %iota3A_162, %shift_right_arithmetic3A_206 : vector<1x8x1xi32>
    %and3A_208 = arith.constant 1 : i32
    %and3A_209 = vector.broadcast %and3A_208 : i32 to vector<1x8x1xi32>
    %and3A_210 = arith.andi %shift_right_arithmetic3A_207, %and3A_209 : vector<1x8x1xi32>
    %eq3A_211 = arith.constant 0 : i32
    %eq3A_212 = vector.broadcast %eq3A_211 : i32 to vector<1x8x1xi32>
    %eq3A_213 = arith.cmpi eq, %and3A_210, %eq3A_212 : vector<1x8x1xi32>
    %slice3A_214 = vector.extract_strided_slice %add3A_204 {offsets = [0, 2, 0], sizes = [512, 6, 128], strides = [1, 1, 1]} : vector<512x8x128xf32> to vector<512x6x128xf32>
    %slice3A_215 = vector.extract_strided_slice %add3A_204 {offsets = [0, 0, 0], sizes = [512, 2, 128], strides = [1, 1, 1]} : vector<512x8x128xf32> to vector<512x2x128xf32>
    %concatenate3A_216 = tpu.concatenate %slice3A_214, %slice3A_215 in 1 : vector<512x6x128xf32>, vector<512x2x128xf32> -> vector<512x8x128xf32>
    %slice3A_217 = vector.extract_strided_slice %add3A_204 {offsets = [0, 6, 0], sizes = [512, 2, 128], strides = [1, 1, 1]} : vector<512x8x128xf32> to vector<512x2x128xf32>
    %slice3A_218 = vector.extract_strided_slice %add3A_204 {offsets = [0, 0, 0], sizes = [512, 6, 128], strides = [1, 1, 1]} : vector<512x8x128xf32> to vector<512x6x128xf32>
    %concatenate3A_219 = tpu.concatenate %slice3A_217, %slice3A_218 in 1 : vector<512x2x128xf32>, vector<512x6x128xf32> -> vector<512x8x128xf32>
    %broadcast_in_dim3A_220 = vector.shape_cast %eq3A_213 : vector<1x8x1xi1> to vector<1x8x1xi1>
    %broadcast_in_dim3A_221 = vector.broadcast %broadcast_in_dim3A_220 : vector<1x8x1xi1> to vector<512x8x128xi1>
    %select_n3A_222 = arith.select %broadcast_in_dim3A_221, %concatenate3A_216, %concatenate3A_219 : vector<512x8x128xi1>, vector<512x8x128xf32>
    %mul3A_223 = vector.broadcast %convert_element_type3A_188 : vector<1x8x1xf32> to vector<512x8x128xf32>
    %mul3A_224 = arith.mulf %mul3A_223, %add3A_204 : vector<512x8x128xf32>
    %add3A_225 = arith.addf %select_n3A_222, %mul3A_224 : vector<512x8x128xf32>
    %and3A_226 = arith.constant 1 : i32
    %and3A_227 = vector.broadcast %and3A_226 : i32 to vector<1x8x1xi32>
    %and3A_228 = arith.andi %iota3A_162, %and3A_227 : vector<1x8x1xi32>
    %eq3A_229 = arith.constant 0 : i32
    %eq3A_230 = vector.broadcast %eq3A_229 : i32 to vector<1x8x1xi32>
    %eq3A_231 = arith.cmpi eq, %and3A_228, %eq3A_230 : vector<1x8x1xi32>
    %slice3A_232 = vector.extract_strided_slice %add3A_225 {offsets = [0, 1, 0], sizes = [512, 7, 128], strides = [1, 1, 1]} : vector<512x8x128xf32> to vector<512x7x128xf32>
    %slice3A_233 = vector.extract_strided_slice %add3A_225 {offsets = [0, 0, 0], sizes = [512, 1, 128], strides = [1, 1, 1]} : vector<512x8x128xf32> to vector<512x1x128xf32>
    %concatenate3A_234 = tpu.concatenate %slice3A_232, %slice3A_233 in 1 : vector<512x7x128xf32>, vector<512x1x128xf32> -> vector<512x8x128xf32>
    %slice3A_235 = vector.extract_strided_slice %add3A_225 {offsets = [0, 7, 0], sizes = [512, 1, 128], strides = [1, 1, 1]} : vector<512x8x128xf32> to vector<512x1x128xf32>
    %slice3A_236 = vector.extract_strided_slice %add3A_225 {offsets = [0, 0, 0], sizes = [512, 7, 128], strides = [1, 1, 1]} : vector<512x8x128xf32> to vector<512x7x128xf32>
    %concatenate3A_237 = tpu.concatenate %slice3A_235, %slice3A_236 in 1 : vector<512x1x128xf32>, vector<512x7x128xf32> -> vector<512x8x128xf32>
    %broadcast_in_dim3A_238 = vector.shape_cast %eq3A_231 : vector<1x8x1xi1> to vector<1x8x1xi1>
    %broadcast_in_dim3A_239 = vector.broadcast %broadcast_in_dim3A_238 : vector<1x8x1xi1> to vector<512x8x128xi1>
    %select_n3A_240 = arith.select %broadcast_in_dim3A_239, %concatenate3A_234, %concatenate3A_237 : vector<512x8x128xi1>, vector<512x8x128xf32>
    %mul3A_241 = vector.broadcast %convert_element_type3A_198 : vector<1x8x1xf32> to vector<512x8x128xf32>
    %mul3A_242 = arith.mulf %mul3A_241, %add3A_225 : vector<512x8x128xf32>
    %add3A_243 = arith.addf %select_n3A_240, %mul3A_242 : vector<512x8x128xf32>
    %mul3A_244 = arith.constant 0.353553385 : f32
    %mul3A_245 = vector.broadcast %mul3A_244 : f32 to vector<512x8x128xf32>
    %mul3A_246 = arith.mulf %add3A_243, %mul3A_245 : vector<512x8x128xf32>
    %swap3A = arith.constant 0 : index
    %swap3A_247 = arith.constant 0 : index
    %swap3A_248 = arith.constant 0 : index
    %swap3A_249 = vector.load %arg2[%swap3A, %swap3A_247, %swap3A_248] : memref<512x8x128xf32, #tpu.memory_space<vmem>>, vector<512x8x128xf32>
    tpu.vector_store %arg2[%swap3A, %swap3A_247, %swap3A_248], %mul3A_246 {strides = array<i32>} : memref<512x8x128xf32, #tpu.memory_space<vmem>>, vector<512x8x128xf32>,
    %mul3A_250 = arith.constant 2.000000e+00 : f32
    %mul3A_251 = vector.broadcast %mul3A_250 : f32 to vector<512x8x128xf32>
    %mul3A_252 = arith.mulf %mul3A_251, %add3A_161 : vector<512x8x128xf32>
    %convert_element_type3A_253 = arith.fptosi %mul3A_252 : vector<512x8x128xf32> to vector<512x8x128xi16>
    %swap3A_254 = arith.constant 0 : index
    %swap3A_255 = arith.constant 0 : index
    %swap3A_256 = arith.constant 0 : index
    %swap3A_257 = vector.load %arg3[%swap3A_254, %swap3A_255, %swap3A_256] : memref<512x8x128xi16, #tpu.memory_space<vmem>>, vector<512x8x128xi16>
    tpu.vector_store %arg3[%swap3A_254, %swap3A_255, %swap3A_256], %convert_element_type3A_253 {strides = array<i32>} : memref<512x8x128xi16, #tpu.memory_space<vmem>>, vector<512x8x128xi16>,
    %iota3A_258 = tpu.iota {dimensions = array<i32: 1>} : vector<1x8x1xi32>
    %mul3A_259 = arith.constant 2 : i32
    %mul3A_260 = vector.broadcast %mul3A_259 : i32 to vector<1x8x1xi32>
    %mul3A_261 = arith.muli %mul3A_260, %iota3A_258 : vector<1x8x1xi32>
    %add3A_262 = arith.constant 3 : i32
    %add3A_263 = vector.broadcast %add3A_262 : i32 to vector<1x8x1xi32>
    %add3A_264 = arith.addi %mul3A_261, %add3A_263 : vector<1x8x1xi32>
    %ge3A = arith.constant 3 : i32
    %ge3A_265 = vector.broadcast %ge3A : i32 to vector<1x8x1xi32>
    %ge3A_266 = arith.cmpi sge, %iota3A_258, %ge3A_265 : vector<1x8x1xi32>
    %convert_element_type3A_267 = arith.extui %ge3A_266 : vector<1x8x1xi1> to vector<1x8x1xi32>
    %ge3A_268 = arith.constant 5 : i32
    %ge3A_269 = vector.broadcast %ge3A_268 : i32 to vector<1x8x1xi32>
    %ge3A_270 = arith.cmpi sge, %iota3A_258, %ge3A_269 : vector<1x8x1xi32>
    %convert_element_type3A_271 = arith.extui %ge3A_270 : vector<1x8x1xi1> to vector<1x8x1xi32>
    %add3A_272 = arith.addi %convert_element_type3A_267, %convert_element_type3A_271 : vector<1x8x1xi32>
    %ge3A_273 = arith.constant 7 : i32
    %ge3A_274 = vector.broadcast %ge3A_273 : i32 to vector<1x8x1xi32>
    %ge3A_275 = arith.cmpi sge, %iota3A_258, %ge3A_274 : vector<1x8x1xi32>
    %convert_element_type3A_276 = arith.extui %ge3A_275 : vector<1x8x1xi1> to vector<1x8x1xi32>
    %add3A_277 = arith.addi %add3A_272, %convert_element_type3A_276 : vector<1x8x1xi32>
    %mul3A_278 = arith.constant 2 : i32
    %mul3A_279 = vector.broadcast %mul3A_278 : i32 to vector<1x8x1xi32>
    %mul3A_280 = arith.muli %mul3A_279, %add3A_277 : vector<1x8x1xi32>
    %add3A_281 = arith.addi %add3A_264, %mul3A_280 : vector<1x8x1xi32>
    %convert_element_type3A_282 = arith.sitofp %add3A_281 : vector<1x8x1xi32> to vector<1x8x1xf32>
    %mul3A_283 = vector.broadcast %convert_element_type3A_282 : vector<1x8x1xf32> to vector<512x8x128xf32>
    %mul3A_284 = arith.mulf %mul3A_252, %mul3A_283 : vector<512x8x128xf32>
    %reduce_sum3A_285 = arith.constant dense<0.000000e+00> : vector<512x128xf32>
    %reduce_sum3A_286 = vector.multi_reduction <add>, %mul3A_284, %reduce_sum3A_285 [1] : vector<512x8x128xf32> to vector<512x128xf32>
    %broadcast_in_dim3A_287 = vector.shape_cast %reduce_sum3A_286 : vector<512x128xf32> to vector<512x1x128xf32>
    %convert_element_type3A_288 = arith.fptosi %broadcast_in_dim3A_287 : vector<512x1x128xf32> to vector<512x1x128xi32>
    %and3A_289 = arith.constant 4095 : i32
    %and3A_290 = vector.broadcast %and3A_289 : i32 to vector<512x1x128xi32>
    %and3A_291 = arith.andi %convert_element_type3A_288, %and3A_290 : vector<512x1x128xi32>
    %swap3A_292 = arith.constant 0 : index
    %swap3A_293 = arith.constant 0 : index
    %swap3A_294 = arith.constant 0 : index
    %swap3A_295 = vector.load %arg4[%swap3A_292, %swap3A_293, %swap3A_294] : memref<512x1x128xi32, #tpu.memory_space<vmem>>, vector<512x1x128xi32>
    tpu.vector_store %arg4[%swap3A_292, %swap3A_293, %swap3A_294], %and3A_291 {strides = array<i32>} : memref<512x1x128xi32, #tpu.memory_space<vmem>>, vector<512x1x128xi32>,
    %min3A = arith.minimumf %add3A_132, %add3A_141 : vector<512x1x128xf32>
    %reduce_sum3A_296 = arith.constant dense<0.000000e+00> : vector<1x128xf32>
    %reduce_sum3A_297 = vector.multi_reduction <add>, %min3A, %reduce_sum3A_296 [0] : vector<512x1x128xf32> to vector<1x128xf32>
    %broadcast_in_dim3A_298 = vector.shape_cast %reduce_sum3A_297 : vector<1x128xf32> to vector<1x1x128xf32>
    %swap3A_299 = arith.constant 0 : index
    %swap3A_300 = arith.constant 0 : index
    %swap3A_301 = arith.constant 0 : index
    %swap3A_302 = vector.load %arg5[%swap3A_299, %swap3A_300, %swap3A_301] : memref<1x1x128xf32, #tpu.memory_space<vmem>>, vector<1x1x128xf32>
    tpu.vector_store %arg5[%swap3A_299, %swap3A_300, %swap3A_301], %broadcast_in_dim3A_298 {strides = array<i32>} : memref<1x1x128xf32, #tpu.memory_space<vmem>>, vector<1x1x128xf32>,
    return
  }
  func.func @transform_0(%arg0: i32) -> (i32, i32, i32) {
    %c0_i32 = arith.constant 0 : i32
    %c0_i32_0 = arith.constant 0 : i32
    %c0_i32_1 = arith.constant 0 : i32
    return %arg0, %c0_i32, %c0_i32_0 : i32, i32, i32
  }
  func.func @transform_1(%arg0: i32) -> (i32, i32, i32) {
    %c0_i32 = arith.constant 0 : i32
    %c0_i32_0 = arith.constant 0 : i32
    %c0_i32_1 = arith.constant 0 : i32
    return %arg0, %c0_i32, %c0_i32_0 : i32, i32, i32
  }
  func.func @transform_2(%arg0: i32) -> (i32, i32, i32) {
    %c0_i32 = arith.constant 0 : i32
    %c0_i32_0 = arith.constant 0 : i32
    %c0_i32_1 = arith.constant 0 : i32
    return %arg0, %c0_i32, %c0_i32_0 : i32, i32, i32
  }
  func.func @transform_3(%arg0: i32) -> (i32, i32, i32) {
    %c0_i32 = arith.constant 0 : i32
    %c0_i32_0 = arith.constant 0 : i32
    %c0_i32_1 = arith.constant 0 : i32
    return %arg0, %c0_i32, %c0_i32_0 : i32, i32, i32
  }
  func.func @transform_4(%arg0: i32) -> (i32, i32, i32) {
    %c0_i32 = arith.constant 0 : i32
    %c0_i32_0 = arith.constant 0 : i32
    %c0_i32_1 = arith.constant 0 : i32
    return %arg0, %c0_i32, %c0_i32_0 : i32, i32, i32
  }
}

</mosaic_0001>

<sc_bundles>
// kernel: kernel.4.cloned.1.call-start
scs
__scs_entry_jumppad:
0x0: {  	(pc) =	sbr.rel $0x88, $3  }
0x1: {  	(tag) =	ssettag $0x0;
	lr =	simm.s32 $0x1  }
0x2: {  	[smem:$0x3FA0] =	sst lr;
	_ =	strace $0xD0000000  }
0x3: {  	_ = 	snop  }
0x4: {  	_ = 	snop  }
0x5: {  	_ = 	snop  }
0x6: {  	_ = 	snop  }
0x7: {  	_ = 	snop  }
__scs_overlays_trampoline_lowered:
0x8: {  	[smem:$0x3FAF] =	sst s0  }
0x9: {  	[smem:$0x3FB0] =	sst s1  }
0xa: {  	[smem:$0x3FB1] =	sst s2  }
0xb: {  	[smem:$0x3FB2] =	sst s3  }
0xc: {  	[smem:$0x3FB3] =	sst s4  }
0xd: {  	[smem:$0x3FB4] =	sst s5  }
0xe: {  	[smem:$0x3FB5] =	sst s6  }
0xf: {  	[smem:$0x3FB6] =	sst s7  }
0x10: {  	[smem:$0x3FB7] =	sst s8  }
0x11: {  	[smem:$0x3FB8] =	sst s9;
	s0 =	simm.s32 @!p0 $0x0  }
0x12: {  	s1 =	sld [smem:$0x3F9E];
	s0 =	simm.s32 @p0 $0x1  }
0x13: {  	[smem:$0x3FB9] =	sst s0;
	s0 =	simm.s32 @!p1 $0x0  }
0x14: {  	s2 =	sld [smem:$0x3F9D];
	s0 =	simm.s32 @p1 $0x1  }
0x15: {  	[smem:$0x3FBA] =	sst s0;
	s0 =	simm.s32 @!p2 $0x0  }
0x16: {  	s3 =	sld [smem:$0x3FDB];
	s0 =	simm.s32 @p2 $0x1  }
0x17: {  	s4 =	simm.s32 $0x1BF5;
	[smem:$0x3FBC] =	sst s0  }
0x18: {  	s0 =	sld [smem:$0x3F9F];
	_ =	swait.ge [sflag:s4], $0x0  }
0x19: {  	s7 =	sld [smem:$0x3FA0]  }
0x1a: {  	s8 =	sadd.s32 $0xFFFFE003, lr  }
0x1b: {  	s9 =	sadd.s32 $0xFFFFFEF7, lr;
	s5 =	simm.s32 $0xFFFFFFFF;
	p2 =	slt.u32 s8, $0xFFFFF086  }
0x1c: {  	p1 =	slt.u32 s9, $0xF7A;
	s5 =	simm.s32 @!p2 $0x0  }
0x1d: {  	s5 =	simm.s32 @p1 $0x1;
	p0 =	seq.s32 s7, s2  }
0x1e: {  	s7 =	smul.u32 @!p0 $0xF7A, s2;
	p2 =	seq.s32 @!p0 s5, $0x0  }
0x1f: {  	s9 =	smul.u32 $0xF7A, s1;
	s8 =	simm.s32 @!p0 $0x1BF5;
	p2 =	por !p2, p0  }
0x20: {  	[sflag:s8] =	ssyncset.s32 @!p0 $0xFFFFF086;
	s6 =	sadd.s32 @!p0 s3, s7;
	s7 =	simm.s32 @!p0 $0x108  }
0x21: {  	s3 =	sadd.s32 s3, s9;
	s6 =	sadd.s32 @!p0 $0x88, s6;
	s7 =	simm.s32 @p2 $0x1082  }
0x22: {  	[simem:s7], [sflag:s8] =	dma.local @!p0 [hbm:s6], $0xF7A  }
0x23: {  	s9 =	sor.u32 $0xD0000000, s2;
	s6 =	simm.s32 $0x108;
	_ =	swait.ge @!p0 [sflag:s8], $0x0  }
0x24: {  	s3 =	sadd.s32 $0x88, s3;
	s6 =	simm.s32 @!p1 $0x1082;
	[sflag:s4] =	ssyncset.s32 $0xFFFFF086  }
0x25: {  	[simem:s6], [sflag:s4] =	dma.local [hbm:s3], $0xF7A  }
0x26: {  	[smem:$0x3FA0] =	sst s1;
	(tag) =	ssettag s2;
	_ =	strace s9  }
0x27: {  	s1 =	sld [smem:$0x3FB0]  }
0x28: {  	s2 =	sld [smem:$0x3FB1]  }
0x29: {  	s4 =	sld [smem:$0x3FB3]  }
0x2a: {  	p0 =	seq.s32 s5, $0x0;
	s5 =	sld [smem:$0x3FB4]  }
0x2b: {  	s6 =	sld [smem:$0x3FB5]  }
0x2c: {  	s7 =	sld [smem:$0x3FB6]  }
0x2d: {  	s3 =	simm.s32 $0x108;
	s8 =	sld [smem:$0x3FB7]  }
0x2e: {  	s3 =	simm.s32 @!p0 $0x1082;
	s9 =	sld [smem:$0x3FB8]  }
0x2f: {  	lr =	sadd.s32 s0, s3;
	s0 =	sld [smem:$0x3FAF]  }
0x30: {  	s3 =	sld [smem:$0x3FB2]  }
0x31: {  	[smem:$0x3FBB] =	sst s10  }
0x32: {  	s10 =	sld [smem:$0x3FB9];
	_ =	sdelay $0x3  }
0x33: {  	p0 =	seq.s32 s10, $0x1;
	s10 =	sld [smem:$0x3FBB];
	_ =	sdelay $0x3  }
0x34: {  	[smem:$0x3FBB] =	sst s10  }
0x35: {  	s10 =	sld [smem:$0x3FBA];
	_ =	sdelay $0x3  }
0x36: {  	p1 =	seq.s32 s10, $0x1;
	s10 =	sld [smem:$0x3FBB];
	_ =	sdelay $0x3  }
0x37: {  	[smem:$0x3FBB] =	sst s10  }
0x38: {  	s10 =	sld [smem:$0x3FBC]  }
0x39: {  	_ = 	snop;
	(pc) =	sbr.ind lr, $3  }
0x3a: {  	_ = 	snop  }
0x3b: {  	_ = 	snop  }
0x3c: {  	p2 =	seq.s32 s10, $0x1;
	s10 =	sld [smem:$0x3FBB]  }
0x3d: {  	_ =	shalt  }
0x3e: {  	_ =	shalt  }
0x3f: {  	_ =	shalt  }
0x40: {  	_ =	shalt  }
0x41: {  	_ =	shalt  }
0x42: {  	_ =	shalt  }
0x43: {  	_ =	shalt  }
0x44: {  	_ =	shalt  }
0x45: {  	_ =	shalt  }
0x46: {  	_ =	shalt  }
0x47: {  	_ =	shalt  }
0x48: {  	_ =	shalt  }
0x49: {  	_ =	shalt  }
0x4a: {  	_ =	shalt  }
0x4b: {  	_ =	shalt  }
0x4c: {  	_ =	shalt  }
0x4d: {  	_ =	shalt  }
0x4e: {  	_ =	shalt  }
0x4f: {  	_ =	shalt  }
0x50: {  	_ =	shalt  }
0x51: {  	_ =	shalt  }
0x52: {  	_ =	shalt  }
0x53: {  	_ =	shalt  }
0x54: {  	_ =	shalt  }
0x55: {  	_ =	shalt  }
0x56: {  	_ =	shalt  }
0x57: {  	_ =	shalt  }
0x58: {  	_ =	shalt  }
0x59: {  	_ =	shalt  }
0x5a: {  	_ =	shalt  }
0x5b: {  	_ =	shalt  }
0x5c: {  	_ =	shalt  }
0x5d: {  	_ =	shalt  }
0x5e: {  	_ =	shalt  }
0x5f: {  	_ =	shalt  }
0x60: {  	_ =	shalt  }
0x61: {  	_ =	shalt  }
0x62: {  	_ =	shalt  }
0x63: {  	_ =	shalt  }
0x64: {  	_ =	shalt  }
0x65: {  	_ =	shalt  }
0x66: {  	_ =	shalt  }
0x67: {  	_ =	shalt  }
0x68: {  	_ =	shalt  }
0x69: {  	_ =	shalt  }
0x6a: {  	_ =	shalt  }
0x6b: {  	_ =	shalt  }
0x6c: {  	_ =	shalt  }
0x6d: {  	_ =	shalt  }
0x6e: {  	_ =	shalt  }
0x6f: {  	_ =	shalt  }
0x70: {  	_ =	shalt  }
0x71: {  	_ =	shalt  }
0x72: {  	_ =	shalt  }
0x73: {  	_ =	shalt  }
0x74: {  	_ =	shalt  }
0x75: {  	_ =	shalt  }
0x76: {  	_ =	shalt  }
0x77: {  	_ =	shalt  }
0x78: {  	_ =	shalt  }
0x79: {  	_ =	shalt  }
0x7a: {  	_ =	shalt  }
0x7b: {  	_ =	shalt  }
0x7c: {  	_ =	shalt  }
0x7d: {  	_ =	shalt  }
0x7e: {  	_ =	shalt  }
0x7f: {  	_ =	shalt  }
0x80: {  	_ =	shalt  }
0x81: {  	_ =	shalt  }
0x82: {  	_ =	shalt  }
0x83: {  	_ =	shalt  }
0x84: {  	_ =	shalt  }
0x85: {  	_ =	shalt  }
0x86: {  	_ =	shalt  }
0x87: {  	_ =	shalt  }
.Lfunc_end0:
.L_simem_size_0:
called_computation_lowered:
.L_overlay_start_0:
0x88: {  	s2 =	sld [smem:$0x3FD9]  }
0x89: {  	s3 =	sld [smem:$0x3FFE];
	_ =	sdelay $0x1  }
0x8a: {  	s1 =	srdreg.scid  }
0x8b: {  	s0 =	sand.u32 $0x1, s1  }
0x8c: {  	s16 =	sshll.u32 s0, $0xA;
	s2 =	sadd.s32 s3, s2  }
0x8d: {  	s2 =	sadd.s32 s2, s16  }
0x8e: {  	[smem:$0x3FC7] =	sst s2  }
0x8f: {  	_ = 	snop  }
0x90: {  	(tm) =	ssettm $0x1  }
0x91: {  	s17 =	sld [smem:$0x3FFB];
	_ =	sdelay $0x3  }
0x92: {  	_ =	strace s17  }
0x93: {  	s2 =	sld [smem:$0x3FFC];
	_ =	sdelay $0x3  }
0x94: {  	_ =	strace s2  }
0x95: {  	s2 =	sld [smem:$0x3FFD];
	_ =	sdelay $0x3  }
0x96: {  	_ =	strace s2  }
0x97: {  	_ =	strace $0x8FFFFFFF  }
0x98: {  	s18 =	sld [smem:$0x3FDB];
	_ =	sdelay $0x1  }
0x99: {  	s19 =	simm.s32 $_scs_section_size  }
0x9a: {  	s4 =	simm.s32 $_size__tile_overlayer_lowered;
	s5 =	simm.s32 $_tile_overlayer_lowered  }
0x9b: {  	s22 =	simm.s32 $0x1BFF;
	s21 =	sshll.u32 s5, $0x1;
	s2 =	sadd.s32 s19, s18  }
0x9c: {  	s6 =	simm.s32 $0x0;
	s20 =	sshll.u32 s4, $0x1;
	s4 =	sadd.s32 s21, s2  }
0x9d: {  	[timem:s6], [sflag:s22] =	dma.local [hbm:s4], s20  }
0x9e: {  	_ =	swait.ge [sflag:s22], s20  }
0x9f: {  	s3 =	ssub.s32 $0x0, s20;
	[sflag:s22] =	ssyncset.done $0x0  }
0xa0: {  	[sflag:s22] =	ssyncadd.s32 s3;
	_ =	sdelay $0x1  }
0xa1: {  	s23 =	simm.s32 $0x1B8B  }
0xa2: {  	_ =	swait.ge [sflag:s23], $0x1  }
0xa3: {  	[sflag:s23] =	ssyncset.done $0x0  }
0xa4: {  	s25 =	simm.s32 $0x1B8E;
	s24 =	sld [smem:$0x3FFE];
	[sflag:s23] =	ssyncadd.s32 $0xFFFFFFFF  }
0xa5: {  	s26 =	simm.s32 $execute0_lowered;
	[smem:$0x3FD2] =	sst s25  }
0xa6: {  	s4 =	sshll.u32 s26, $0x1;
	_ =	strace $0x80000046;
	[dreg:$0x1] =	wrdreg $0xFFFFFFFF  }
0xa7: {  	s28 =	simm.s32 $_size_execute0_lowered;
	s2 =	sadd.s32 s2, s4;
	[dreg:$0x0] =	wrdreg $0x0  }
0xa8: {  	s4 =	sshll.u32 s28, $0x1;
	[dreg:$0x2] =	wrdreg s2  }
0xa9: {  	[dreg:$0x3] =	wrdreg s4  }
0xaa: {  	[dreg:$0x4] =	wrdreg $0xC0  }
0xab: {  	_ =	task [dreg:s6], $0x5FFFF  }
0xac: {  	[dreg:$0x1] =	wrdreg $0xFFFFFFFF  }
0xad: {  	[dreg:$0x0] =	wrdreg $0x60  }
0xae: {  	[dreg:$0x2] =	wrdreg s24  }
0xaf: {  	[dreg:$0x3] =	wrdreg $0x9  }
0xb0: {  	_ =	task.clear_ibuf [dreg:s6], $0x4FFFF;
	_ =	strace $0x90000046  }
0xb1: {  	s29 =	simm.s32 $0x9;
	_ =	strace $0x80000048  }
0xb2: {  	_ =	swait.ge [sflag:s29], $0x1  }
0xb3: {  	[sflag:s29] =	ssyncadd.s32 $0xFFFFFFFF  }
0xb4: {  	_ =	strace $0x90000048  }
0xb5: {  	_ =	sfence  }
0xb6: {  	s30 =	sld [smem:$0x0];
	_ =	sdelay $0x2  }
0xb7: {  	s31 =	sshll.u32 s1, $0xD;
	s1 =	sshrl.u32 s1, $0x2  }
0xb8: {  	s3 =	sand.u32 $0x4000, s31;
	s1 =	sadd.s32 s1, s30  }
0xb9: {  	s0 =	sor.u32 s3, s0;
	s1 =	sshll.u32 s1, $0x11  }
0xba: {  	s0 =	sor.u32 s1, s0  }
0xbb: {  	s0 =	sadd.s32 $0x8F2B, s0  }
0xbc: {  	[sflag:s0] =	ssyncadd.remote.s32 $0x1  }
0xbd: {  	_ =	sfence.sel $0xFFFF  }
0xbe: {  	[dreg:$0x0] =	wrdreg $0xFFFFFFFF;
	(pc) =	sbr.abs _section_cstart, $3  }
0xbf: {  	[dreg:$0x1] =	wrdreg $0xFFFFFFFF  }
0xc0: {  	_ =	task.clear_ibuf [dreg:s6], $0x2FFFF;
	_ =	strace $0x9FFFFFFF  }
0xc1: {  	(tm) =	ssettm $0x7FFFFFFF  }
tec
execute0_lowered:
.L_overlay_start_1:
0x0: {  	(tag) =	ssettag $0x1  }
0x1: {  	s1 =	srdreg.scid  }
0x2: {  	s0 =	stileid.u32;
	s4 =	rddreg [dreg:$0x0];
	s8 =	simm.s32 $0x80  }
0x3: {  	s9 =	simm.s32 $0x400;
	s3 =	sand.u32 $0x1, s1;
	s31 =	sshll.u32 s0, $0x1  }
0x4: {  	s10 =	simm.s32 $0x18000;
	s11 =	simm.s32 $0x0;
	s1 =	sor.u32 s3, s31  }
0x5: {  	s3 =	ssub.s32 $0x2, s3;
	s5 =	sshll.u32 s1, $0xC;
	s2 =	sshll.u32 s1, $0x7  }
0x6: {  	s1 =	rddreg [dreg:$0x1];
	s7 =	sshrl.u32 s3, $0x1;
	s6 =	sor.u32 s2, s5  }
0x7: {  	s2 =	simm.s32 $0x0;
	s7 =	ssub.s32 s3, s7;
	s6 =	sand.u32 $0x18380, s6  }
0x8: {  	s3 =	sadd.s32 s4, s5;
	[smem:$0x7FF] =	sst s2;
	s6 =	sshrl.u32 s6, $0x3  }
0x9: {  	v1 =	vlaneseq.u32;
	s5 =	smax.u32 s7, $0x1;
	s7 =	simm.s32 $0x8000;
	s6 =	sadd.s32 s6, s4  }
0xa: {  	v0 =	vimm.f32 $0.0e+00;
	v2 =	vimm.f32 $1.000000000e+00;
	v1 =	vmul.u32 $0x1000, v1;
	_ =	strace $0x80000047;
	s4 =	sadd.s32 $0x20000, s6;
	s6 =	simm.s32 $0x1  }
.LBB2_1:
0xb: {  	s12 =	simm.s32 $0x8040  }
0xc: {  	[tilespmem:s12+$0xFFFFFFC0] =	vst v0  }
0xd: {  	[tilespmem:s12+$0x30] =	vst v0  }
0xe: {  	[tilespmem:s12+$0x20] =	vst v0  }
0xf: {  	[tilespmem:s12+$0x10] =	vst v0  }
0x10: {  	[tilespmem:s12+$0x0] =	vst v0  }
0x11: {  	[tilespmem:s12+$0xFFFFFFF0] =	vst v0  }
0x12: {  	s13 =	simm.s32 $0x0;
	[tilespmem:s12+$0xFFFFFFE0] =	vst v0  }
.LBB2_2:
0x13: {  	s13 =	sadd.s32 $0x8, s13;
	[tilespmem:s12+$0xFFFFFFD0] =	vst v0;
	s12 =	sadd.s32 $0x80, s12  }
0x14: {  	[tilespmem:s12+$0xFFFFFFC0] =	vst v0;
	p0 =	slt.u32 s13, $0xFF8  }
0x15: {  	[tilespmem:s12+$0x30] =	vst v0  }
.Ltmp0:
0x16: {  	[tilespmem:s12+$0x20] =	vst v0;
	(pc) =	sbr.rel @p0 .LBB2_2-.Ltmp0, $4  }
0x17: {  	[tilespmem:s12+$0x10] =	vst v0  }
0x18: {  	[tilespmem:s12+$0x0] =	vst v0  }
0x19: {  	[tilespmem:s12+$0xFFFFFFF0] =	vst v0  }
0x1a: {  	[tilespmem:s12+$0xFFFFFFE0] =	vst v0  }
0x1b: {  	[tilespmem:s12+$0xFFFFFFD0] =	vst v0  }
0x1c: {  	[tilespmem:s2], [sflag:$0x1] =	stream.linear.gather [hbm4b:s3+s2], $0x8000, $0x38;
	[tilespmem:$0x19000] =	vst v63  }
0x1d: {  	_ =	swait.ge [sflag:s6], $0x8000  }
0x1e: {  	[sflag:s6] =	ssyncset.done $0x0  }
0x1f: {  	s31 =	simm.s32 $0x40;
	[sflag:s6] =	ssyncadd.s32 $0xFFFF8000  }
0x20: {  	v3 =	vld [tilespmem:s31+$0x30]  }
0x21: {  	v4 =	vld [tilespmem:s31+$0xFFFFFFD0]  }
0x22: {  	v5 =	vld [tilespmem:s31+$0xFFFFFFE0]  }
0x23: {  	v6 =	vld [tilespmem:s31+$0xFFFFFFF0]  }
0x24: {  	v7 =	vld [tilespmem:s31+$0x0]  }
0x25: {  	v8 =	vld [tilespmem:s31+$0x10];
	v3 =	vadd.s32 v1, v3  }
0x26: {  	v4 =	vadd.s32 v1, v4  }
0x27: {  	v5 =	vadd.s32 v1, v5  }
0x28: {  	v9 =	vld [tilespmem:s31+$0x20];
	v6 =	vadd.s32 v1, v6  }
0x29: {  	v10 =	vld [tilespmem:s31+$0xFFFFFFC0];
	v7 =	vadd.s32 v1, v7  }
0x2a: {  	v8 =	vadd.s32 v1, v8;
	[tilespmem:v3+s7+$0x0] =	vst.idx.add.f32.msk $0xffff, v2  }
0x2b: {  	[tilespmem:v4+s7+$0x0] =	vst.idx.add.f32.msk $0xffff, v2  }
0x2c: {  	[tilespmem:v5+s7+$0x0] =	vst.idx.add.f32.msk $0xffff, v2  }
0x2d: {  	[tilespmem:v6+s7+$0x0] =	vst.idx.add.f32.msk $0xffff, v2  }
0x2e: {  	[tilespmem:v7+s7+$0x0] =	vst.idx.add.f32.msk $0xffff, v2  }
0x2f: {  	s13 =	simm.s32 $0x0;
	s14 =	simm.s32 $0xC0;
	v3 =	vadd.s32 v1, v9;
	v4 =	vadd.s32 v1, v10;
	[tilespmem:v8+s7+$0x0] =	vst.idx.add.f32.msk $0xffff, v2  }
.LBB2_4:
0x30: {  	v5 =	vld [tilespmem:s14+$0x30];
	s13 =	sadd.s32 $0x8, s13  }
0x31: {  	v6 =	vld [tilespmem:s14+$0xFFFFFFD0];
	p0 =	slt.u32 s13, $0x7F8  }
0x32: {  	v7 =	vld [tilespmem:s14+$0xFFFFFFE0]  }
0x33: {  	v8 =	vld [tilespmem:s14+$0xFFFFFFF0]  }
0x34: {  	v9 =	vld [tilespmem:s14+$0x0]  }
0x35: {  	v10 =	vld [tilespmem:s14+$0x10];
	v5 =	vadd.s32 v1, v5  }
0x36: {  	v6 =	vadd.s32 v1, v6;
	v11 =	vld [tilespmem:s14+$0x20]  }
0x37: {  	v12 =	vld [tilespmem:s14+$0xFFFFFFC0];
	v7 =	vadd.s32 v1, v7  }
0x38: {  	v8 =	vadd.s32 v1, v8;
	[tilespmem:v4+s7+$0x0] =	vst.idx.add.f32.msk $0xffff, v2  }
0x39: {  	v9 =	vadd.s32 v1, v9;
	[tilespmem:v3+s7+$0x0] =	vst.idx.add.f32.msk $0xffff, v2  }
0x3a: {  	s12 =	simm.s32 $0x0;
	v10 =	vadd.s32 v1, v10;
	[tilespmem:v5+s7+$0x0] =	vst.idx.add.f32.msk $0xffff, v2  }
.Ltmp1:
0x3b: {  	[tilespmem:v6+s7+$0x0] =	vst.idx.add.f32.msk $0xffff, v2;
	v3 =	vadd.s32 v1, v11;
	(pc) =	sbr.rel @p0 .LBB2_4-.Ltmp1, $4  }
0x3c: {  	v4 =	vadd.s32 v1, v12;
	[tilespmem:v7+s7+$0x0] =	vst.idx.add.f32.msk $0xffff, v2  }
0x3d: {  	[tilespmem:v8+s7+$0x0] =	vst.idx.add.f32.msk $0xffff, v2  }
0x3e: {  	[tilespmem:v9+s7+$0x0] =	vst.idx.add.f32.msk $0xffff, v2  }
0x3f: {  	s14 =	sadd.s32 $0x80, s14;
	[tilespmem:v10+s7+$0x0] =	vst.idx.add.f32.msk $0xffff, v2  }
0x40: {  	_ =	sdelay $0x3  }
0x41: {  	[tilespmem:v4+s7+$0x0] =	vst.idx.add.f32.msk $0xffff, v2  }
0x42: {  	[tilespmem:v3+s7+$0x0] =	vst.idx.add.f32.msk $0xffff, v2;
	s14 =	sand.u32 $0xFE0, s12  }
0x43: {  	s13 =	simm.s32 $0x0;
	v3 =	vld [tilespmem:s14+$0x9000]  }
0x44: {  	v4 =	vld [tilespmem:s13+$0x8010]  }
0x45: {  	v5 =	vld [tilespmem:s13+$0x9010]  }
0x46: {  	v6 =	vld [tilespmem:s13+$0x8000]  }
0x47: {  	v7 =	vld [tilespmem:s13+$0xA010]  }
0x48: {  	v8 =	vld [tilespmem:s14+$0xA000]  }
0x49: {  	v9 =	vld [tilespmem:s13+$0xB010]  }
0x4a: {  	v10 =	vld [tilespmem:s14+$0xB000];
	v4 =	vadd.f32 v5, v4  }
0x4b: {  	v3 =	vadd.f32 v3, v6;
	v5 =	vld [tilespmem:s13+$0xC010]  }
0x4c: {  	v6 =	vld [tilespmem:s14+$0xC000];
	v4 =	vadd.f32 v7, v4  }
0x4d: {  	v3 =	vadd.f32 v8, v3;
	v7 =	vld [tilespmem:s13+$0xD010]  }
0x4e: {  	v8 =	vld [tilespmem:s14+$0xD000];
	v4 =	vadd.f32 v9, v4  }
0x4f: {  	v3 =	vadd.f32 v10, v3;
	v9 =	vld [tilespmem:s13+$0xE010]  }
0x50: {  	v10 =	vld [tilespmem:s14+$0xE000];
	v4 =	vadd.f32 v5, v4  }
0x51: {  	v3 =	vadd.f32 v6, v3;
	v5 =	vld [tilespmem:s13+$0xF010]  }
0x52: {  	v6 =	vld [tilespmem:s14+$0xF000];
	v4 =	vadd.f32 v7, v4  }
0x53: {  	v3 =	vadd.f32 v8, v3;
	v7 =	vld [tilespmem:s13+$0x10010]  }
0x54: {  	v8 =	vld [tilespmem:s14+$0x10000];
	v4 =	vadd.f32 v9, v4  }
0x55: {  	v3 =	vadd.f32 v10, v3;
	v9 =	vld [tilespmem:s13+$0x11010]  }
0x56: {  	v10 =	vld [tilespmem:s14+$0x11000];
	v4 =	vadd.f32 v5, v4  }
0x57: {  	v3 =	vadd.f32 v6, v3;
	v5 =	vld [tilespmem:s13+$0x12010]  }
0x58: {  	v6 =	vld [tilespmem:s14+$0x12000];
	v4 =	vadd.f32 v7, v4  }
0x59: {  	v3 =	vadd.f32 v8, v3;
	v7 =	vld [tilespmem:s13+$0x13010]  }
0x5a: {  	v8 =	vld [tilespmem:s14+$0x13000];
	v4 =	vadd.f32 v9, v4  }
0x5b: {  	v3 =	vadd.f32 v10, v3;
	v9 =	vld [tilespmem:s13+$0x14010]  }
0x5c: {  	v10 =	vld [tilespmem:s14+$0x14000];
	v4 =	vadd.f32 v5, v4  }
0x5d: {  	v5 =	vadd.f32 v6, v3;
	v6 =	vld [tilespmem:s13+$0x15010]  }
0x5e: {  	v3 =	vld [tilespmem:s14+$0x15000];
	v7 =	vadd.f32 v7, v4  }
0x5f: {  	v8 =	vadd.f32 v8, v5;
	v5 =	vld [tilespmem:s13+$0x16010]  }
0x60: {  	v4 =	vld [tilespmem:s14+$0x16000];
	v9 =	vadd.f32 v9, v7  }
0x61: {  	s15 =	simm.s32 $0x0;
	s16 =	simm.s32 $0x20;
	v8 =	vadd.f32 v10, v8;
	v7 =	vld [tilespmem:s13+$0x17010]  }
.LBB2_6:
0x62: {  	v10 =	vld [tilespmem:s14+$0x17000];
	s14 =	sand.u32 $0xFE0, s16;
	v6 =	vadd.f32 v6, v9;
	s12 =	sadd.s32 $0x80, s12  }
0x63: {  	s17 =	sshra.s32 s12, $0x2;
	v9 =	vld [tilespmem:s14+$0x9000];
	v3 =	vadd.f32 v3, v8  }
0x64: {  	s15 =	sadd.s32 $0x2, s15;
	v8 =	vld [tilespmem:s17+$0x8010];
	v5 =	vadd.f32 v5, v6  }
0x65: {  	p0 =	slt.u32 s15, $0xFE;
	v6 =	vld [tilespmem:s17+$0x9010];
	v3 =	vadd.f32 v4, v3  }
0x66: {  	v4 =	vld [tilespmem:s17+$0x8000];
	v5 =	vadd.f32 v7, v5  }
0x67: {  	v7 =	vld [tilespmem:s17+$0xA010];
	v3 =	vadd.f32 v10, v3  }
0x68: {  	v10 =	vld [tilespmem:s14+$0xA000];
	[tilespmem:s13+$0x18010] =	vst v5  }
0x69: {  	v5 =	vld [tilespmem:s17+$0xB010];
	[tilespmem:s13+$0x18000] =	vst v3;
	s13 =	smov.u32 s17  }
0x6a: {  	v3 =	vld [tilespmem:s14+$0xB000];
	v6 =	vadd.f32 v6, v8  }
0x6b: {  	v4 =	vadd.f32 v9, v4;
	v8 =	vld [tilespmem:s13+$0xC010]  }
0x6c: {  	v9 =	vld [tilespmem:s14+$0xC000];
	v6 =	vadd.f32 v7, v6  }
0x6d: {  	v4 =	vadd.f32 v10, v4;
	v7 =	vld [tilespmem:s13+$0xD010]  }
0x6e: {  	v10 =	vld [tilespmem:s14+$0xD000];
	v5 =	vadd.f32 v5, v6  }
0x6f: {  	v3 =	vadd.f32 v3, v4;
	v4 =	vld [tilespmem:s13+$0xE010]  }
0x70: {  	v6 =	vld [tilespmem:s14+$0xE000];
	v5 =	vadd.f32 v8, v5  }
0x71: {  	v3 =	vadd.f32 v9, v3;
	v8 =	vld [tilespmem:s13+$0xF010]  }
0x72: {  	v9 =	vld [tilespmem:s14+$0xF000];
	v5 =	vadd.f32 v7, v5  }
0x73: {  	v3 =	vadd.f32 v10, v3;
	v7 =	vld [tilespmem:s13+$0x10010]  }
0x74: {  	v10 =	vld [tilespmem:s14+$0x10000];
	v4 =	vadd.f32 v4, v5  }
0x75: {  	v3 =	vadd.f32 v6, v3;
	v5 =	vld [tilespmem:s13+$0x11010]  }
0x76: {  	v6 =	vld [tilespmem:s14+$0x11000];
	v4 =	vadd.f32 v8, v4  }
0x77: {  	v3 =	vadd.f32 v9, v3;
	v8 =	vld [tilespmem:s13+$0x12010]  }
0x78: {  	v9 =	vld [tilespmem:s14+$0x12000];
	v4 =	vadd.f32 v7, v4  }
0x79: {  	v3 =	vadd.f32 v10, v3;
	v7 =	vld [tilespmem:s13+$0x13010]  }
0x7a: {  	v10 =	vld [tilespmem:s14+$0x13000];
	v4 =	vadd.f32 v5, v4  }
0x7b: {  	v3 =	vadd.f32 v6, v3;
	v11 =	vld [tilespmem:s13+$0x14010]  }
0x7c: {  	v12 =	vld [tilespmem:s14+$0x14000];
	v4 =	vadd.f32 v8, v4  }
.Ltmp2:
0x7d: {  	v5 =	vadd.f32 v9, v3;
	v6 =	vld [tilespmem:s13+$0x15010];
	(pc) =	sbr.rel @p0 .LBB2_6-.Ltmp2, $4  }
0x7e: {  	v3 =	vld [tilespmem:s14+$0x15000];
	v7 =	vadd.f32 v7, v4  }
0x7f: {  	v8 =	vadd.f32 v10, v5;
	v5 =	vld [tilespmem:s13+$0x16010]  }
0x80: {  	v4 =	vld [tilespmem:s14+$0x16000];
	v9 =	vadd.f32 v11, v7  }
0x81: {  	s16 =	sadd.s32 $0x20, s16;
	v8 =	vadd.f32 v12, v8;
	v7 =	vld [tilespmem:s13+$0x17010]  }
0x82: {  	v10 =	vld [tilespmem:s14+$0x17000];
	v6 =	vadd.f32 v6, v9  }
0x83: {  	v3 =	vadd.f32 v3, v8  }
0x84: {  	v5 =	vadd.f32 v5, v6  }
0x85: {  	v3 =	vadd.f32 v4, v3  }
0x86: {  	v63 =	vadd.f32 v7, v5  }
0x87: {  	s11 =	sadd.s32 $0x1, s11;
	v3 =	vadd.f32 v10, v3  }
0x88: {  	p0 =	sne.s32 s11, s5;
	[tilespmem:s13+$0x18010] =	vst v63  }
.Ltmp3:
0x89: {  	[tilespmem:s13+$0x18000] =	vst v3;
	(pc) =	sbr.rel @p0 .LBB2_1-.Ltmp3, $4  }
0x8a: {  	[hbm4b:s4+s8] =	stream.strided.scatter [tilespmem:s10], [sflag:$0x1], $0x1000, s9, s8, $0x38;
	[tilespmem:$0x19000] =	vst v63  }
0x8b: {  	_ =	swait.ge [sflag:s6], $0x1000  }
0x8c: {  	[sflag:s6] =	ssyncset.done $0x0  }
0x8d: {  	[sflag:s6] =	ssyncadd.s32 $0xFFFFF000  }
0x8e: {  	_ =	sfence.sel $0x180000  }
0x8f: {  	[bflag:$0x0] =	sbarrier.arrive $0xFFFF  }
0x90: {  	p0 =	sne.s32 s0, $0x0;
	_ =	strace $0x90000047  }
0x91: {  	s0 =	sadd.s32 @!p0 $0x100000, s1;
	[bflag:$0x2] =	sbarrier.arrive $0xFFFF  }
0x92: {  	[sflag:s0] =	ssyncadd.tile.s32 @!p0 $0x1;
	_ =	shalt  }
.Lfunc_end2:
_tile_overlayer_lowered:
.L_overlay_start_2:
0x93: {  	(tag) =	ssettag $0x2  }
0x94: {  	s0 =	rddreg [dreg:$0x0];
	s2 =	stileid.u32  }
0x95: {  	s1 =	rddreg [dreg:$0x1];
	p0 =	sne.s32 s2, $0x0  }
0x96: {  	s3 =	rddreg [dreg:$0x2];
	[bflag:$0x3] =	sbarrier.arrive $0xFFFF;
	s2 =	simm.s32 @!p0 $0x1C01  }
0x97: {  	[timem:s3], [sflag:s2] =	dma.local @!p0 [hbm:s0], s1  }
0x98: {  	s0 =	simm.s32 @!p0 $0x1  }
0x99: {  	_ =	swait.ge @!p0 [sflag:s0], s1  }
0x9a: {  	s1 =	ssub.s32 @!p0 $0x0, s1;
	[sflag:s0] =	ssyncset.done @!p0 $0x0  }
0x9b: {  	[sflag:s0] =	ssyncadd.s32 @!p0 s1  }
0x9c: {  	[bflag:$0x3] =	sbarrier.arrive $0xFFFF  }
0x9d: {  	_ =	shalt  }

</sc_bundles>
